<compile_context>
chip_gen: v7x
topology: tpu7x:2x2x1
jax: 0.10.2.dev20260603
libtpu: 0.0.44.dev20260713+nightly
codegen_flags: <defaults>
</compile_context>

<pallas_src>
import jax
import jax.numpy as jnp
from jax.experimental import pallas as pl
from jax.experimental.pallas import tpu as pltpu
from jax.experimental.pallas import tpu_sc as plsc

_EMB = 32
_SCALE = float(_EMB) ** 0.5
_LANES = 16
_WINDOW = 1024
_TC_BLOCK_ROWS = 8
_C_BLK = 8192
_STRIPS = 4
_STRIP = _C_BLK // _STRIPS


def _remap(v):
    blk = v & ~jnp.int32(_C_BLK - 1)
    return blk + ((v & (_STRIP - 1)) << 2) + ((v & (_C_BLK - 1)) >> 11)


def _tc_flatten(xt):
    n_cols, n_rows = xt.shape
    blk = _TC_BLOCK_ROWS * n_rows

    def body(x_ref, o_ref):
        o_ref[...] = _remap(x_ref[...]).reshape(blk)

    return pl.pallas_call(
        body,
        grid=(n_cols // _TC_BLOCK_ROWS,),
        in_specs=[pl.BlockSpec((_TC_BLOCK_ROWS, n_rows), lambda a: (a, 0))],
        out_specs=pl.BlockSpec((blk,), lambda a: (a,)),
        out_shape=jax.ShapeDtypeStruct((n_cols * n_rows,), jnp.int32),
    )(xt)


def _tc_table_perm(tt):
    emb, vocab = tt.shape
    grid = -(-vocab // _C_BLK)
    r_blk = _STRIP
    out_rows = grid * r_blk

    def body(t_ref, o_ref):
        t = t_ref[...]
        stacked = jnp.concatenate(
            [t[:, s * _STRIP:(s + 1) * _STRIP] for s in range(_STRIPS)],
            axis=0,
        )
        o_ref[...] = stacked.T * _SCALE

    return pl.pallas_call(
        body,
        grid=(grid,),
        in_specs=[pl.BlockSpec((emb, _C_BLK), lambda a: (0, a))],
        out_specs=pl.BlockSpec((r_blk, 128), lambda a: (a, 0)),
        out_shape=jax.ShapeDtypeStruct((out_rows, 128), jnp.float32),
    )(tt)


def _gather(idx1d, table, n_cols, n_rows):
    blocks_per_col = n_rows // _WINDOW
    q_blk = _WINDOW * _EMB // 128
    mesh = plsc.VectorSubcoreMesh(core_axis_name="c", subcore_axis_name="s")

    @pl.kernel(
        out_type=jax.ShapeDtypeStruct(
            (n_cols, n_rows * _EMB // 128, 128), jnp.float32
        ),
        mesh=mesh,
        scratch_types=[pltpu.VMEM((_WINDOW, _EMB), jnp.float32)],
        compiler_params=pltpu.CompilerParams(use_tc_tiling_on_sc=False),
    )
    def k(idx_hbm, table_hbm, out_hbm, rows_v):
        def body(idx_vmem, out_vmem):
            pltpu.sync_copy(table_hbm.at[idx_vmem], rows_v)
            packed = out_vmem.at[0]

            @plsc.parallel_loop(0, q_blk, unroll=8)
            def _(q):
                for u in range(128 // _LANES):
                    src = (4 * q + u // 2, pl.ds((u % 2) * _LANES, _LANES))
                    dst = (q, pl.ds(u * _LANES, _LANES))
                    packed.at[dst][...] = rows_v.at[src][...]

        pltpu.emit_pipeline(
            body,
            grid=(n_cols, blocks_per_col),
            in_specs=[
                pl.BlockSpec(
                    (_WINDOW,), lambda j, i: (j * blocks_per_col + i,)
                )
            ],
            out_specs=[pl.BlockSpec((1, q_blk, 128), lambda j, i: (j, i, 0))],
            core_axis_name=("c", "s"),
            dimension_semantics=(pltpu.PARALLEL, pltpu.PARALLEL),
        )(idx_hbm, out_hbm)

    return k(idx1d, table)


def kernel(x, table):
    if x.dtype != jnp.int32:
        x = x.astype(jnp.int32)
    n_rows, n_cols = x.shape
    idx_flat = _tc_flatten(x.T)
    table_perm = _tc_table_perm(table.T)
    table_rows = table_perm.reshape(
        table_perm.shape[0] * 128 // _EMB, _EMB
    )
    out_p = _gather(idx_flat, table_rows, n_cols, n_rows)
    out_t = out_p.reshape(n_cols, n_rows, _EMB)
    return jnp.transpose(out_t, (1, 0, 2))

# --- scband reference (transcript-rebuilt; emitter-appended) ---
"""Pipeline reference for scband-embedding-83013127897627 (READ-ONLY COPY).

The authoritative reference and input builder live on the scoring server;
editing this copy changes nothing except your own understanding.
"""

import jax, jax.numpy as jnp
import numpy as np

NUM_VOCAB = 1000000
EMB_SIZE = 32

def setup_inputs(seed: int = 0) -> dict:
    key = jax.random.key(seed)
    k1, k2 = jax.random.split(key)
    x = jax.random.randint(k1, (4096, 200), 0, NUM_VOCAB, dtype=jnp.int64 if jax.config.jax_enable_x64 else jnp.int32)
    # xavier_normal init: std = sqrt(2 / (fan_in + fan_out))
    std = (2.0 / (NUM_VOCAB + EMB_SIZE)) ** 0.5
    table = jax.random.normal(k2, (NUM_VOCAB, EMB_SIZE), dtype=jnp.float32) * std
    return {"x": x, "table": table}

def reference(x, table):
    # Note: the torch module's zero_pad branch mutates a stray .weight attribute
    # on the Parameter and does NOT affect the forward computation, so it is
    # faithfully omitted here.
    outputs = jnp.take(table, x.astype(jnp.int32), axis=0)
    # scale=True
    outputs = outputs * (EMB_SIZE ** 0.5)
    return outputs

if __name__ == "__main__":
    import jax
    _d = setup_inputs()
    print(jax.jit(kernel)(*tuple(_d.values())))

</pallas_src>

<mosaic_0001>
#map = affine_map<(d0, d1) -> (0)>
#map1 = affine_map<(d0, d1) -> (0, 0)>
#map2 = affine_map<(d0, d1) -> (0, 0, 0)>
module attributes {stable_mosaic.version = 14 : i64} {
  func.func @k(%arg0: i32, %arg1: i32, %arg2: memref<819200xi32, #tpu.memory_space<hbm>>, %arg3: memref<1007616x32xf32, #tpu.memory_space<hbm>>, %arg4: memref<200x1024x128xf32, #tpu.memory_space<hbm>>, %arg5: memref<1024x32xf32, #tpu.memory_space<vmem>>) attributes {dimension_semantics = [#tpu.dimension_semantics<core_parallel>, #tpu.dimension_semantics<subcore_parallel>], iteration_bounds = array<i64: 2, 16>, scalar_prefetch = 0 : i64, scratch_operands = 1 : i64, tpu.core_type = #tpu.core_type<sc_vector_subcore>, window_params = [{transform_indices = #map}, {transform_indices = #map1}, {transform_indices = #map2}]} {
    %mul3A = arith.constant 1 : i32
    %mul3A_0 = arith.muli %arg1, %mul3A : i32
    %add3A = arith.constant 0 : i32
    %add3A_1 = arith.addi %add3A, %mul3A_0 : i32
    %mul3A_2 = arith.constant 16 : i32
    %mul3A_3 = arith.muli %arg0, %mul3A_2 : i32
    %add3A_4 = arith.addi %add3A_1, %mul3A_3 : i32
    %lt3A = arith.constant 8 : i32
    %lt3A_5 = arith.cmpi slt, %add3A_4, %lt3A : i32
    %jit3A = arith.constant 7 : i32
    %jit3A_6 = arith.constant 6 : i32
    %select_n3A = arith.select %lt3A_5, %jit3A, %jit3A_6 : i32
    %lt3A_7 = arith.constant 8 : i32
    %lt3A_8 = arith.cmpi slt, %add3A_4, %lt3A_7 : i32
    %mul3A_9 = arith.muli %add3A_4, %select_n3A : i32
    %mul3A_10 = arith.constant 6 : i32
    %mul3A_11 = arith.muli %add3A_4, %mul3A_10 : i32
    %add3A_12 = arith.constant 8 : i32
    %add3A_13 = arith.addi %mul3A_11, %add3A_12 : i32
    %select_n3A_14 = arith.select %lt3A_8, %mul3A_9, %add3A_13 : i32
    %mul3A_15 = arith.constant 1 : i32
    %mul3A_16 = arith.muli %mul3A_15, %select_n3A : i32
    %mul3A_17 = arith.constant 4 : i32
    %mul3A_18 = arith.muli %mul3A_16, %mul3A_17 : i32
    "tpu.region"() ({
      %run_scoped3A = memref.alloca() : memref<2048xi32, #tpu.memory_space<vmem>>
      %run_scoped3A_19 = tpu.sem_alloc : memref<2x!tpu.dma_semaphore, #tpu.memory_space<semaphore_mem>>
      %run_scoped3A_20 = memref.alloca() : memref<2x1x256x128xf32, #tpu.memory_space<vmem>>
      %run_scoped3A_21 = tpu.sem_alloc : memref<2x!tpu.dma_semaphore, #tpu.memory_space<semaphore_mem>>
      %gt3A = arith.constant 0 : i32
      %gt3A_22 = arith.cmpi sgt, %mul3A_18, %gt3A : i32
      %convert_element_type3A = arith.extui %gt3A_22 : i1 to i32
      %cond3A = arith.constant 0 : i32
      %cond3A_23 = arith.cmpi ne, %convert_element_type3A, %cond3A : i32
      scf.if %cond3A_23 {
        %mul3A_24 = arith.constant 1 : i32
        %mul3A_25 = arith.muli %mul3A_24, %select_n3A : i32
        %mul3A_26 = arith.constant 4 : i32
        %mul3A_27 = arith.muli %mul3A_25, %mul3A_26 : i32
        %sub3A = arith.constant 1 : i32
        %sub3A_28 = arith.subi %mul3A_27, %sub3A : i32
        %eq3A = arith.constant 0 : i32
        %eq3A_29 = arith.cmpi eq, %sub3A_28, %eq3A : i32
        %add3A_30 = arith.constant 0 : i32
        %add3A_31 = arith.addi %add3A_30, %select_n3A_14 : i32
        %select_n3A_32 = arith.constant true
        %select_n3A_33 = arith.constant 0 : i32
        %select_n3A_34 = arith.constant -1 : i32
        %select_n3A_35 = arith.select %select_n3A_32, %select_n3A_34, %select_n3A_33 : i32
        %eq3A_36 = arith.constant -1 : i32
        %eq3A_37 = arith.cmpi eq, %select_n3A_35, %eq3A_36 : i32
        %select_n3A_38 = arith.constant 3 : i32
        %select_n3A_39 = arith.select %eq3A_37, %select_n3A_38, %select_n3A_35 : i32
        %select_n3A_40 = arith.constant 0 : i32
        %select_n3A_41 = arith.constant -1 : i32
        %select_n3A_42 = arith.select %eq3A_37, %select_n3A_41, %select_n3A_40 : i32
        %eq3A_43 = arith.constant -1 : i32
        %eq3A_44 = arith.cmpi eq, %select_n3A_42, %eq3A_43 : i32
        %sub3A_45 = arith.constant 1 : i32
        %sub3A_46 = arith.subi %select_n3A, %sub3A_45 : i32
        %select_n3A_47 = arith.select %eq3A_44, %sub3A_46, %select_n3A_42 : i32
        %add3A_48 = arith.addi %select_n3A_47, %select_n3A_14 : i32
        %add3A_49 = arith.constant 0 : i32
        %add3A_50 = arith.addi %select_n3A_39, %add3A_49 : i32
        %select_n3A_51 = arith.constant true
        %select_n3A_52 = arith.constant 0 : i32
        %select_n3A_53 = arith.constant 1 : i32
        %select_n3A_54 = arith.select %select_n3A_51, %select_n3A_53, %select_n3A_52 : i32
        %eq3A_55 = arith.constant 4 : i32
        %eq3A_56 = arith.cmpi eq, %select_n3A_54, %eq3A_55 : i32
        %select_n3A_57 = arith.constant 0 : i32
        %select_n3A_58 = arith.select %eq3A_56, %select_n3A_57, %select_n3A_54 : i32
        %select_n3A_59 = arith.constant 0 : i32
        %select_n3A_60 = arith.constant 1 : i32
        %select_n3A_61 = arith.select %eq3A_56, %select_n3A_60, %select_n3A_59 : i32
        %eq3A_62 = arith.cmpi eq, %select_n3A_61, %select_n3A : i32
        %select_n3A_63 = arith.constant 0 : i32
        %select_n3A_64 = arith.select %eq3A_62, %select_n3A_63, %select_n3A_61 : i32
        %add3A_65 = arith.addi %select_n3A_64, %select_n3A_14 : i32
        %add3A_66 = arith.constant 0 : i32
        %add3A_67 = arith.addi %select_n3A_58, %add3A_66 : i32
        %add3A_68 = arith.constant 1 : i32
        %add3A_69 = arith.addi %select_n3A_58, %add3A_68 : i32
        %select_n3A_70 = arith.constant true
        %select_n3A_71 = arith.select %select_n3A_70, %add3A_69, %select_n3A_58 : i32
        %eq3A_72 = arith.constant 4 : i32
        %eq3A_73 = arith.cmpi eq, %select_n3A_71, %eq3A_72 : i32
        %select_n3A_74 = arith.constant 0 : i32
        %select_n3A_75 = arith.select %eq3A_73, %select_n3A_74, %select_n3A_71 : i32
        %add3A_76 = arith.constant 1 : i32
        %add3A_77 = arith.addi %select_n3A_64, %add3A_76 : i32
        %select_n3A_78 = arith.select %eq3A_73, %add3A_77, %select_n3A_64 : i32
        %eq3A_79 = arith.cmpi eq, %select_n3A_78, %select_n3A : i32
        %select_n3A_80 = arith.constant 0 : i32
        %select_n3A_81 = arith.select %eq3A_79, %select_n3A_80, %select_n3A_78 : i32
        %add3A_82 = arith.addi %select_n3A_81, %select_n3A_14 : i32
        %add3A_83 = arith.constant 0 : i32
        %add3A_84 = arith.addi %select_n3A_75, %add3A_83 : i32
        "tpu.trace_start"() <{level = 10 : i32, message = "ep_initialize_0"}> : () -> ()
        %rem3A = arith.constant 0 : i32
        %rem3A_85 = arith.constant 2 : i32
        %rem3A_86 = arith.remui %rem3A, %rem3A_85 : i32
        %mul3A_87 = arith.constant 4 : i32
        %mul3A_88 = arith.muli %add3A_31, %mul3A_87 : i32
        %add3A_89 = arith.constant 0 : i32
        %add3A_90 = arith.addi %mul3A_88, %add3A_89 : i32
        %mul3A_91 = arith.constant 1024 : i32
        %mul3A_92 = arith.muli %mul3A_91, %add3A_90 : i32
        %mul3A_93 = arith.constant 1024 : i32
        %mul3A_94 = arith.muli %rem3A_86, %mul3A_93 : i32
        %add3A_95 = arith.constant 0 : i32
        %add3A_96 = arith.addi %mul3A_94, %add3A_95 : i32
        %dma_start3A = tpu.memref_slice %run_scoped3A[%add3A_96] : memref<2048xi32, #tpu.memory_space<vmem>> -> memref<1024xi32, #tpu.memory_space<vmem>>
        %dma_start3A_97 = tpu.memref_slice %arg2[%mul3A_92] : memref<819200xi32, #tpu.memory_space<hbm>> -> memref<1024xi32, #tpu.memory_space<hbm>>
        %dma_start3A_98 = tpu.memref_slice %run_scoped3A_19[%rem3A_86] : memref<2x!tpu.dma_semaphore, #tpu.memory_space<semaphore_mem>> -> memref<1x!tpu.dma_semaphore, #tpu.memory_space<semaphore_mem>>
        %dma_start3A_99 = tpu.memref_squeeze %dma_start3A_98 : memref<1x!tpu.dma_semaphore, #tpu.memory_space<semaphore_mem>> -> memref<!tpu.dma_semaphore, #tpu.memory_space<semaphore_mem>>
        %dma_start3A_100 = tpu.memref_slice %run_scoped3A[%add3A_96] : memref<2048xi32, #tpu.memory_space<vmem>> -> memref<1024xi32, #tpu.memory_space<vmem>>
        %dma_start3A_101 = tpu.memref_slice %arg2[%mul3A_92] : memref<819200xi32, #tpu.memory_space<hbm>> -> memref<1024xi32, #tpu.memory_space<hbm>>
        tpu.enqueue_dma source(%dma_start3A_101 : memref<1024xi32, #tpu.memory_space<hbm>>) target(%dma_start3A_100 : memref<1024xi32, #tpu.memory_space<vmem>>) target_semaphore(%dma_start3A_99 : memref<!tpu.dma_semaphore, #tpu.memory_space<semaphore_mem>>)
        %add3A_102 = arith.constant 0 : i32
        %add3A_103 = arith.constant 1 : i32
        %add3A_104 = arith.addi %add3A_102, %add3A_103 : i32
        %select_n3A_105 = arith.constant true
        %select_n3A_106 = arith.constant 0 : i32
        %select_n3A_107 = arith.select %select_n3A_105, %add3A_104, %select_n3A_106 : i32
        %while3A = arith.constant 0 : i32
        %while3A_108 = arith.constant 0 : i32
        %while3A_109 = arith.constant 0 : i32
        %while3A_110 = arith.constant 0 : i32
        %while3A_111 = arith.constant 0 : i32
        %while3A_112 = arith.constant 0 : i32
        "tpu.trace_stop"() : () -> ()
        %while3A_113 = arith.subi %mul3A_18, %while3A : i32
        %while3A_114 = arith.addi %while3A, %while3A_113 : i32
        %while3A_115 = arith.constant 1 : i32
        %while3A_116 = arith.divsi %while3A_113, %while3A_115 : i32
        %while3A_117 = arith.muli %while3A_116, %while3A_115 : i32
        %while3A_118 = arith.addi %while3A, %while3A_117 : i32
        %while3A_119 = arith.constant 1 : i32
        %while3A_120:6 = scf.for %while3A_212 = %while3A to %while3A_118 step %while3A_119 iter_args(%while3A_213 = %select_n3A_107, %while3A_214 = %while3A_108, %while3A_215 = %while3A_109, %while3A_216 = %while3A_110, %while3A_217 = %while3A_111, %while3A_218 = %while3A_112) -> (i32, i32, i32, i32, i32, i32)  : i32 {
          %mul3A_219 = arith.constant 1 : i32
          %mul3A_220 = arith.muli %mul3A_219, %select_n3A : i32
          %mul3A_221 = arith.constant 4 : i32
          %mul3A_222 = arith.muli %mul3A_220, %mul3A_221 : i32
          %eq3A_223 = arith.constant 0 : i32
          %eq3A_224 = arith.cmpi eq, %while3A_212, %eq3A_223 : i32
          %sub3A_225 = arith.constant 1 : i32
          %sub3A_226 = arith.subi %mul3A_222, %sub3A_225 : i32
          %eq3A_227 = arith.cmpi eq, %while3A_212, %sub3A_226 : i32
          %add3A_228 = arith.addi %while3A_217, %select_n3A_14 : i32
          %add3A_229 = arith.constant 0 : i32
          %add3A_230 = arith.addi %while3A_218, %add3A_229 : i32
          %sub3A_231 = arith.constant 1 : i32
          %sub3A_232 = arith.subi %while3A_218, %sub3A_231 : i32
          %select_n3A_233 = arith.constant true
          %select_n3A_234 = arith.select %select_n3A_233, %sub3A_232, %while3A_218 : i32
          %eq3A_235 = arith.constant -1 : i32
          %eq3A_236 = arith.cmpi eq, %select_n3A_234, %eq3A_235 : i32
          %select_n3A_237 = arith.constant 3 : i32
          %select_n3A_238 = arith.select %eq3A_236, %select_n3A_237, %select_n3A_234 : i32
          %sub3A_239 = arith.constant 1 : i32
          %sub3A_240 = arith.subi %while3A_217, %sub3A_239 : i32
          %select_n3A_241 = arith.select %eq3A_236, %sub3A_240, %while3A_217 : i32
          %eq3A_242 = arith.constant -1 : i32
          %eq3A_243 = arith.cmpi eq, %select_n3A_241, %eq3A_242 : i32
          %sub3A_244 = arith.constant 1 : i32
          %sub3A_245 = arith.subi %select_n3A, %sub3A_244 : i32
          %select_n3A_246 = arith.select %eq3A_243, %sub3A_245, %select_n3A_241 : i32
          %add3A_247 = arith.addi %select_n3A_246, %select_n3A_14 : i32
          %add3A_248 = arith.constant 0 : i32
          %add3A_249 = arith.addi %select_n3A_238, %add3A_248 : i32
          %add3A_250 = arith.constant 1 : i32
          %add3A_251 = arith.addi %while3A_218, %add3A_250 : i32
          %select_n3A_252 = arith.constant true
          %select_n3A_253 = arith.select %select_n3A_252, %add3A_251, %while3A_218 : i32
          %eq3A_254 = arith.constant 4 : i32
          %eq3A_255 = arith.cmpi eq, %select_n3A_253, %eq3A_254 : i32
          %select_n3A_256 = arith.constant 0 : i32
          %select_n3A_257 = arith.select %eq3A_255, %select_n3A_256, %select_n3A_253 : i32
          %add3A_258 = arith.constant 1 : i32
          %add3A_259 = arith.addi %while3A_217, %add3A_258 : i32
          %select_n3A_260 = arith.select %eq3A_255, %add3A_259, %while3A_217 : i32
          %eq3A_261 = arith.cmpi eq, %select_n3A_260, %select_n3A : i32
          %select_n3A_262 = arith.constant 0 : i32
          %select_n3A_263 = arith.select %eq3A_261, %select_n3A_262, %select_n3A_260 : i32
          %add3A_264 = arith.addi %select_n3A_263, %select_n3A_14 : i32
          %add3A_265 = arith.constant 0 : i32
          %add3A_266 = arith.addi %select_n3A_257, %add3A_265 : i32
          %add3A_267 = arith.constant 1 : i32
          %add3A_268 = arith.addi %select_n3A_257, %add3A_267 : i32
          %select_n3A_269 = arith.constant true
          %select_n3A_270 = arith.select %select_n3A_269, %add3A_268, %select_n3A_257 : i32
          %eq3A_271 = arith.constant 4 : i32
          %eq3A_272 = arith.cmpi eq, %select_n3A_270, %eq3A_271 : i32
          %select_n3A_273 = arith.constant 0 : i32
          %select_n3A_274 = arith.select %eq3A_272, %select_n3A_273, %select_n3A_270 : i32
          %add3A_275 = arith.constant 1 : i32
          %add3A_276 = arith.addi %select_n3A_263, %add3A_275 : i32
          %select_n3A_277 = arith.select %eq3A_272, %add3A_276, %select_n3A_263 : i32
          %eq3A_278 = arith.cmpi eq, %select_n3A_277, %select_n3A : i32
          %select_n3A_279 = arith.constant 0 : i32
          %select_n3A_280 = arith.select %eq3A_278, %select_n3A_279, %select_n3A_277 : i32
          %add3A_281 = arith.addi %select_n3A_280, %select_n3A_14 : i32
          %add3A_282 = arith.constant 0 : i32
          %add3A_283 = arith.addi %select_n3A_274, %add3A_282 : i32
          %mul3A_284 = arith.constant 4 : i32
          %mul3A_285 = arith.muli %add3A_228, %mul3A_284 : i32
          %add3A_286 = arith.addi %mul3A_285, %add3A_230 : i32
          %mul3A_287 = arith.constant 4 : i32
          %mul3A_288 = arith.muli %add3A_264, %mul3A_287 : i32
          %add3A_289 = arith.addi %mul3A_288, %add3A_266 : i32
          %ne3A = arith.cmpi ne, %add3A_286, %add3A_289 : i32
          %or3A = arith.constant false
          %or3A_290 = arith.ori %or3A, %ne3A : i1
          %sub3A_291 = arith.constant 2 : i32
          %sub3A_292 = arith.subi %mul3A_222, %sub3A_291 : i32
          %add3A_293 = arith.constant 1 : i32
          %add3A_294 = arith.addi %sub3A_292, %add3A_293 : i32
          %ge3A = arith.cmpi sge, %while3A_212, %add3A_294 : i32
          %not3A = arith.constant true
          %not3A_295 = arith.xori %ge3A, %not3A : i1
          %and3A = arith.andi %or3A_290, %not3A_295 : i1
          %convert_element_type3A_296 = arith.extui %and3A : i1 to i32
          %cond3A_297 = arith.constant 0 : i32
          %cond3A_298 = arith.cmpi ne, %convert_element_type3A_296, %cond3A_297 : i32
          scf.if %cond3A_298 {
            "tpu.trace_start"() <{level = 10 : i32, message = "ep_copy_in"}> : () -> ()
            %rem3A_445 = arith.constant 2 : i32
            %rem3A_446 = arith.remui %while3A_213, %rem3A_445 : i32
            %mul3A_447 = arith.constant 4 : i32
            %mul3A_448 = arith.muli %add3A_264, %mul3A_447 : i32
            %add3A_449 = arith.addi %mul3A_448, %add3A_266 : i32
            %mul3A_450 = arith.constant 1024 : i32
            %mul3A_451 = arith.muli %mul3A_450, %add3A_449 : i32
            %mul3A_452 = arith.constant 1024 : i32
            %mul3A_453 = arith.muli %rem3A_446, %mul3A_452 : i32
            %add3A_454 = arith.constant 0 : i32
            %add3A_455 = arith.addi %mul3A_453, %add3A_454 : i32
            %dma_start3A_456 = tpu.memref_slice %run_scoped3A[%add3A_455] : memref<2048xi32, #tpu.memory_space<vmem>> -> memref<1024xi32, #tpu.memory_space<vmem>>
            %dma_start3A_457 = tpu.memref_slice %arg2[%mul3A_451] : memref<819200xi32, #tpu.memory_space<hbm>> -> memref<1024xi32, #tpu.memory_space<hbm>>
            %dma_start3A_458 = tpu.memref_slice %run_scoped3A_19[%rem3A_446] : memref<2x!tpu.dma_semaphore, #tpu.memory_space<semaphore_mem>> -> memref<1x!tpu.dma_semaphore, #tpu.memory_space<semaphore_mem>>
            %dma_start3A_459 = tpu.memref_squeeze %dma_start3A_458 : memref<1x!tpu.dma_semaphore, #tpu.memory_space<semaphore_mem>> -> memref<!tpu.dma_semaphore, #tpu.memory_space<semaphore_mem>>
            %dma_start3A_460 = tpu.memref_slice %run_scoped3A[%add3A_455] : memref<2048xi32, #tpu.memory_space<vmem>> -> memref<1024xi32, #tpu.memory_space<vmem>>
            %dma_start3A_461 = tpu.memref_slice %arg2[%mul3A_451] : memref<819200xi32, #tpu.memory_space<hbm>> -> memref<1024xi32, #tpu.memory_space<hbm>>
            tpu.enqueue_dma source(%dma_start3A_461 : memref<1024xi32, #tpu.memory_space<hbm>>) target(%dma_start3A_460 : memref<1024xi32, #tpu.memory_space<vmem>>) target_semaphore(%dma_start3A_459 : memref<!tpu.dma_semaphore, #tpu.memory_space<semaphore_mem>>)
            "tpu.trace_stop"() : () -> ()
          } else {
          }
          %and3A_299 = arith.constant true
          %and3A_300 = arith.andi %and3A, %and3A_299 : i1
          %add3A_301 = arith.constant 1 : i32
          %add3A_302 = arith.addi %while3A_213, %add3A_301 : i32
          %select_n3A_303 = arith.select %and3A_300, %add3A_302, %while3A_213 : i32
          %ne3A_304 = arith.cmpi ne, %add3A_228, %add3A_264 : i32
          %ne3A_305 = arith.cmpi ne, %add3A_230, %add3A_266 : i32
          %or3A_306 = arith.constant false
          %or3A_307 = arith.ori %or3A_306, %ne3A_304 : i1
          %or3A_308 = arith.ori %or3A_307, %ne3A_305 : i1
          %or3A_309 = arith.constant false
          %or3A_310 = arith.ori %or3A_308, %or3A_309 : i1
          %sub3A_311 = arith.constant 2 : i32
          %sub3A_312 = arith.subi %mul3A_222, %sub3A_311 : i32
          %add3A_313 = arith.constant 1 : i32
          %add3A_314 = arith.addi %sub3A_312, %add3A_313 : i32
          %ge3A_315 = arith.cmpi sge, %while3A_212, %add3A_314 : i32
          %not3A_316 = arith.constant true
          %not3A_317 = arith.xori %ge3A_315, %not3A_316 : i1
          %and3A_318 = arith.andi %or3A_310, %not3A_317 : i1
          %mul3A_319 = arith.constant 4 : i32
          %mul3A_320 = arith.muli %add3A_228, %mul3A_319 : i32
          %add3A_321 = arith.addi %mul3A_320, %add3A_230 : i32
          %mul3A_322 = arith.constant 4 : i32
          %mul3A_323 = arith.muli %add3A_247, %mul3A_322 : i32
          %add3A_324 = arith.addi %mul3A_323, %add3A_249 : i32
          %ne3A_325 = arith.cmpi ne, %add3A_321, %add3A_324 : i32
          %or3A_326 = arith.constant false
          %or3A_327 = arith.ori %or3A_326, %ne3A_325 : i1
          %or3A_328 = arith.ori %or3A_327, %eq3A_224 : i1
          %convert_element_type3A_329 = arith.extui %or3A_328 : i1 to i32
          %cond3A_330 = arith.constant 0 : i32
          %cond3A_331 = arith.cmpi ne, %convert_element_type3A_329, %cond3A_330 : i32
          scf.if %cond3A_331 {
            "tpu.trace_start"() <{level = 10 : i32, message = "ep_wait_in"}> : () -> ()
            %mul3A_445 = arith.constant 4 : i32
            %mul3A_446 = arith.muli %add3A_228, %mul3A_445 : i32
            %add3A_447 = arith.addi %mul3A_446, %add3A_230 : i32
            %mul3A_448 = arith.constant 1024 : i32
            %mul3A_449 = arith.muli %mul3A_448, %add3A_447 : i32
            %rem3A_450 = arith.constant 2 : i32
            %rem3A_451 = arith.remui %while3A_214, %rem3A_450 : i32
            %mul3A_452 = arith.constant 1024 : i32
            %mul3A_453 = arith.muli %rem3A_451, %mul3A_452 : i32
            %add3A_454 = arith.constant 0 : i32
            %add3A_455 = arith.addi %mul3A_453, %add3A_454 : i32
            %dma_wait3A = tpu.memref_slice %run_scoped3A[%add3A_455] : memref<2048xi32, #tpu.memory_space<vmem>> -> memref<1024xi32, #tpu.memory_space<vmem>>
            %dma_wait3A_456 = tpu.memref_slice %arg2[%mul3A_449] : memref<819200xi32, #tpu.memory_space<hbm>> -> memref<1024xi32, #tpu.memory_space<hbm>>
            %dma_wait3A_457 = tpu.memref_slice %run_scoped3A_19[%rem3A_451] : memref<2x!tpu.dma_semaphore, #tpu.memory_space<semaphore_mem>> -> memref<1x!tpu.dma_semaphore, #tpu.memory_space<semaphore_mem>>
            %dma_wait3A_458 = tpu.memref_squeeze %dma_wait3A_457 : memref<1x!tpu.dma_semaphore, #tpu.memory_space<semaphore_mem>> -> memref<!tpu.dma_semaphore, #tpu.memory_space<semaphore_mem>>
            %dma_wait3A_459 = tpu.memref_slice %run_scoped3A[%add3A_455] : memref<2048xi32, #tpu.memory_space<vmem>> -> memref<1024xi32, #tpu.memory_space<vmem>>
            %dma_wait3A_460 = tpu.memref_slice %arg2[%mul3A_449] : memref<819200xi32, #tpu.memory_space<hbm>> -> memref<1024xi32, #tpu.memory_space<hbm>>
            tpu.wait_dma2 semaphore(%dma_wait3A_458 : memref<!tpu.dma_semaphore, #tpu.memory_space<semaphore_mem>>) src(%dma_wait3A_460 : memref<1024xi32, #tpu.memory_space<hbm>>) dst(%dma_wait3A_459 : memref<1024xi32, #tpu.memory_space<vmem>>)
            "tpu.trace_stop"() : () -> ()
          } else {
          }
          %ne3A_332 = arith.cmpi ne, %add3A_228, %add3A_247 : i32
          %ne3A_333 = arith.cmpi ne, %add3A_230, %add3A_249 : i32
          %or3A_334 = arith.constant false
          %or3A_335 = arith.ori %or3A_334, %ne3A_332 : i1
          %or3A_336 = arith.ori %or3A_335, %ne3A_333 : i1
          %or3A_337 = arith.constant false
          %or3A_338 = arith.ori %or3A_336, %or3A_337 : i1
          %or3A_339 = arith.ori %or3A_338, %eq3A_224 : i1
          %convert_element_type3A_340 = arith.extui %or3A_339 : i1 to i32
          %cond3A_341 = arith.constant 0 : i32
          %cond3A_342 = arith.cmpi ne, %convert_element_type3A_340, %cond3A_341 : i32
          scf.if %cond3A_342 {
          } else {
          }
          %rem3A_343 = arith.constant 2 : i32
          %rem3A_344 = arith.remui %while3A_214, %rem3A_343 : i32
          %mul3A_345 = arith.constant 1024 : i32
          %mul3A_346 = arith.muli %rem3A_344, %mul3A_345 : i32
          %rem3A_347 = arith.constant 2 : i32
          %rem3A_348 = arith.remui %while3A_215, %rem3A_347 : i32
          "tpu.trace_start"() <{level = 10 : i32, message = "ep_run_kernel"}> : () -> ()
          "tpu.region"() ({
            %run_scoped3A_445 = tpu.sem_alloc : memref<!tpu.dma_semaphore, #tpu.memory_space<semaphore_mem>>
            %dma_start3A_446 = tpu.memref_slice %run_scoped3A[%mul3A_346] : memref<2048xi32, #tpu.memory_space<vmem>> -> memref<1024xi32, #tpu.memory_space<vmem>>
            %dma_start3A_447 = arith.constant 0 : i32
            %dma_start3A_448 = arith.constant 0 : i32
            %dma_start3A_449 = tpu.memref_slice %arg3[%dma_start3A_447, %dma_start3A_448] : memref<1007616x32xf32, #tpu.memory_space<hbm>> -> memref<1007616x32xf32, #tpu.memory_space<hbm>>
            tpu.enqueue_indirect_dma source(%dma_start3A_449 : memref<1007616x32xf32, #tpu.memory_space<hbm>>) target(%arg5 : memref<1024x32xf32, #tpu.memory_space<vmem>>) offsets(%dma_start3A_446 : memref<1024xi32, #tpu.memory_space<vmem>>) semaphore(%run_scoped3A_445 : memref<!tpu.dma_semaphore, #tpu.memory_space<semaphore_mem>>)
            %dma_wait3A = tpu.memref_slice %run_scoped3A[%mul3A_346] : memref<2048xi32, #tpu.memory_space<vmem>> -> memref<1024xi32, #tpu.memory_space<vmem>>
            %dma_wait3A_450 = arith.constant 0 : i32
            %dma_wait3A_451 = arith.constant 0 : i32
            %dma_wait3A_452 = tpu.memref_slice %arg3[%dma_wait3A_450, %dma_wait3A_451] : memref<1007616x32xf32, #tpu.memory_space<hbm>> -> memref<1007616x32xf32, #tpu.memory_space<hbm>>
            tpu.wait_indirect_dma semaphore(%run_scoped3A_445 : memref<!tpu.dma_semaphore, #tpu.memory_space<semaphore_mem>>) src(%dma_wait3A_452 : memref<1007616x32xf32, #tpu.memory_space<hbm>>) dst(%arg5 : memref<1024x32xf32, #tpu.memory_space<vmem>>)
            tpu.yield
          }) : () -> ()
          %parallel_loop3A = arith.constant 0 : i32
          %parallel_loop3A_349 = arith.constant 256 : i32
          %parallel_loop3A_350 = arith.constant 1 : i32
          %parallel_loop3A_351 = arith.constant 0 : i32
          scf.for %parallel_loop3A_445 = %parallel_loop3A to %parallel_loop3A_349 step %parallel_loop3A_350  : i32 {
            %parallel_loop3A_446 = arith.constant 4 : i32
            %parallel_loop3A_447 = arith.muli %parallel_loop3A_446, %parallel_loop3A_445 : i32
            %parallel_loop3A_448 = arith.constant 0 : i32
            %parallel_loop3A_449 = arith.addi %parallel_loop3A_447, %parallel_loop3A_448 : i32
            %parallel_loop3A_450 = arith.index_cast %parallel_loop3A_449 : i32 to index
            %parallel_loop3A_451 = arith.constant 0 : index
            %parallel_loop3A_452 = tpu.vector_load %arg5[%parallel_loop3A_450, %parallel_loop3A_451] {strides = array<i32>} : memref<1024x32xf32, #tpu.memory_space<vmem>>, vector<1x16xf32>,
            %parallel_loop3A_453 = vector.shape_cast %parallel_loop3A_452 : vector<1x16xf32> to vector<16xf32>
            %parallel_loop3A_454 = arith.constant 0 : i32
            %parallel_loop3A_455 = arith.constant 0 : i32
            %parallel_loop3A_456 = arith.constant 0 : i32
            %parallel_loop3A_457 = tpu.memref_slice %run_scoped3A_20[%rem3A_348, %parallel_loop3A_454, %parallel_loop3A_455, %parallel_loop3A_456] : memref<2x1x256x128xf32, #tpu.memory_space<vmem>> -> memref<1x1x256x128xf32, #tpu.memory_space<vmem>>
            %parallel_loop3A_458 = tpu.memref_squeeze %parallel_loop3A_457 : memref<1x1x256x128xf32, #tpu.memory_space<vmem>> -> memref<1x256x128xf32, #tpu.memory_space<vmem>>
            %parallel_loop3A_459 = arith.constant 0 : i32
            %parallel_loop3A_460 = arith.constant 0 : i32
            %parallel_loop3A_461 = tpu.memref_slice %parallel_loop3A_458[%parallel_loop3A_351, %parallel_loop3A_459, %parallel_loop3A_460] : memref<1x256x128xf32, #tpu.memory_space<vmem>> -> memref<1x256x128xf32, #tpu.memory_space<vmem>>
            %parallel_loop3A_462 = tpu.memref_squeeze %parallel_loop3A_461 : memref<1x256x128xf32, #tpu.memory_space<vmem>> -> memref<256x128xf32, #tpu.memory_space<vmem>>
            %parallel_loop3A_463 = arith.index_cast %parallel_loop3A_445 : i32 to index
            %parallel_loop3A_464 = arith.constant 0 : index
            %parallel_loop3A_465 = tpu.vector_load %parallel_loop3A_462[%parallel_loop3A_463, %parallel_loop3A_464] {strides = array<i32>} : memref<256x128xf32, #tpu.memory_space<vmem>>, vector<1x16xf32>,
            %parallel_loop3A_466 = vector.shape_cast %parallel_loop3A_465 : vector<1x16xf32> to vector<16xf32>
            %parallel_loop3A_467 = vector.shape_cast %parallel_loop3A_453 : vector<16xf32> to vector<1x16xf32>
            tpu.vector_store %parallel_loop3A_462[%parallel_loop3A_463, %parallel_loop3A_464], %parallel_loop3A_467 {strides = array<i32>} : memref<256x128xf32, #tpu.memory_space<vmem>>, vector<1x16xf32>,
            %parallel_loop3A_468 = arith.constant 4 : i32
            %parallel_loop3A_469 = arith.muli %parallel_loop3A_468, %parallel_loop3A_445 : i32
            %parallel_loop3A_470 = arith.constant 0 : i32
            %parallel_loop3A_471 = arith.addi %parallel_loop3A_469, %parallel_loop3A_470 : i32
            %parallel_loop3A_472 = arith.index_cast %parallel_loop3A_471 : i32 to index
            %parallel_loop3A_473 = arith.constant 16 : index
            %parallel_loop3A_474 = tpu.vector_load %arg5[%parallel_loop3A_472, %parallel_loop3A_473] {strides = array<i32>} : memref<1024x32xf32, #tpu.memory_space<vmem>>, vector<1x16xf32>,
            %parallel_loop3A_475 = vector.shape_cast %parallel_loop3A_474 : vector<1x16xf32> to vector<16xf32>
            %parallel_loop3A_476 = arith.constant 0 : i32
            %parallel_loop3A_477 = arith.constant 0 : i32
            %parallel_loop3A_478 = arith.constant 0 : i32
            %parallel_loop3A_479 = tpu.memref_slice %run_scoped3A_20[%rem3A_348, %parallel_loop3A_476, %parallel_loop3A_477, %parallel_loop3A_478] : memref<2x1x256x128xf32, #tpu.memory_space<vmem>> -> memref<1x1x256x128xf32, #tpu.memory_space<vmem>>
            %parallel_loop3A_480 = tpu.memref_squeeze %parallel_loop3A_479 : memref<1x1x256x128xf32, #tpu.memory_space<vmem>> -> memref<1x256x128xf32, #tpu.memory_space<vmem>>
            %parallel_loop3A_481 = arith.constant 0 : i32
            %parallel_loop3A_482 = arith.constant 0 : i32
            %parallel_loop3A_483 = tpu.memref_slice %parallel_loop3A_480[%parallel_loop3A_351, %parallel_loop3A_481, %parallel_loop3A_482] : memref<1x256x128xf32, #tpu.memory_space<vmem>> -> memref<1x256x128xf32, #tpu.memory_space<vmem>>
            %parallel_loop3A_484 = tpu.memref_squeeze %parallel_loop3A_483 : memref<1x256x128xf32, #tpu.memory_space<vmem>> -> memref<256x128xf32, #tpu.memory_space<vmem>>
            %parallel_loop3A_485 = arith.index_cast %parallel_loop3A_445 : i32 to index
            %parallel_loop3A_486 = arith.constant 16 : index
            %parallel_loop3A_487 = tpu.vector_load %parallel_loop3A_484[%parallel_loop3A_485, %parallel_loop3A_486] {strides = array<i32>} : memref<256x128xf32, #tpu.memory_space<vmem>>, vector<1x16xf32>,
            %parallel_loop3A_488 = vector.shape_cast %parallel_loop3A_487 : vector<1x16xf32> to vector<16xf32>
            %parallel_loop3A_489 = vector.shape_cast %parallel_loop3A_475 : vector<16xf32> to vector<1x16xf32>
            tpu.vector_store %parallel_loop3A_484[%parallel_loop3A_485, %parallel_loop3A_486], %parallel_loop3A_489 {strides = array<i32>} : memref<256x128xf32, #tpu.memory_space<vmem>>, vector<1x16xf32>,
            %parallel_loop3A_490 = arith.constant 4 : i32
            %parallel_loop3A_491 = arith.muli %parallel_loop3A_490, %parallel_loop3A_445 : i32
            %parallel_loop3A_492 = arith.constant 1 : i32
            %parallel_loop3A_493 = arith.addi %parallel_loop3A_491, %parallel_loop3A_492 : i32
            %parallel_loop3A_494 = arith.index_cast %parallel_loop3A_493 : i32 to index
            %parallel_loop3A_495 = arith.constant 0 : index
            %parallel_loop3A_496 = tpu.vector_load %arg5[%parallel_loop3A_494, %parallel_loop3A_495] {strides = array<i32>} : memref<1024x32xf32, #tpu.memory_space<vmem>>, vector<1x16xf32>,
            %parallel_loop3A_497 = vector.shape_cast %parallel_loop3A_496 : vector<1x16xf32> to vector<16xf32>
            %parallel_loop3A_498 = arith.constant 0 : i32
            %parallel_loop3A_499 = arith.constant 0 : i32
            %parallel_loop3A_500 = arith.constant 0 : i32
            %parallel_loop3A_501 = tpu.memref_slice %run_scoped3A_20[%rem3A_348, %parallel_loop3A_498, %parallel_loop3A_499, %parallel_loop3A_500] : memref<2x1x256x128xf32, #tpu.memory_space<vmem>> -> memref<1x1x256x128xf32, #tpu.memory_space<vmem>>
            %parallel_loop3A_502 = tpu.memref_squeeze %parallel_loop3A_501 : memref<1x1x256x128xf32, #tpu.memory_space<vmem>> -> memref<1x256x128xf32, #tpu.memory_space<vmem>>
            %parallel_loop3A_503 = arith.constant 0 : i32
            %parallel_loop3A_504 = arith.constant 0 : i32
            %parallel_loop3A_505 = tpu.memref_slice %parallel_loop3A_502[%parallel_loop3A_351, %parallel_loop3A_503, %parallel_loop3A_504] : memref<1x256x128xf32, #tpu.memory_space<vmem>> -> memref<1x256x128xf32, #tpu.memory_space<vmem>>
            %parallel_loop3A_506 = tpu.memref_squeeze %parallel_loop3A_505 : memref<1x256x128xf32, #tpu.memory_space<vmem>> -> memref<256x128xf32, #tpu.memory_space<vmem>>
            %parallel_loop3A_507 = arith.index_cast %parallel_loop3A_445 : i32 to index
            %parallel_loop3A_508 = arith.constant 32 : index
            %parallel_loop3A_509 = tpu.vector_load %parallel_loop3A_506[%parallel_loop3A_507, %parallel_loop3A_508] {strides = array<i32>} : memref<256x128xf32, #tpu.memory_space<vmem>>, vector<1x16xf32>,
            %parallel_loop3A_510 = vector.shape_cast %parallel_loop3A_509 : vector<1x16xf32> to vector<16xf32>
            %parallel_loop3A_511 = vector.shape_cast %parallel_loop3A_497 : vector<16xf32> to vector<1x16xf32>
            tpu.vector_store %parallel_loop3A_506[%parallel_loop3A_507, %parallel_loop3A_508], %parallel_loop3A_511 {strides = array<i32>} : memref<256x128xf32, #tpu.memory_space<vmem>>, vector<1x16xf32>,
            %parallel_loop3A_512 = arith.constant 4 : i32
            %parallel_loop3A_513 = arith.muli %parallel_loop3A_512, %parallel_loop3A_445 : i32
            %parallel_loop3A_514 = arith.constant 1 : i32
            %parallel_loop3A_515 = arith.addi %parallel_loop3A_513, %parallel_loop3A_514 : i32
            %parallel_loop3A_516 = arith.index_cast %parallel_loop3A_515 : i32 to index
            %parallel_loop3A_517 = arith.constant 16 : index
            %parallel_loop3A_518 = tpu.vector_load %arg5[%parallel_loop3A_516, %parallel_loop3A_517] {strides = array<i32>} : memref<1024x32xf32, #tpu.memory_space<vmem>>, vector<1x16xf32>,
            %parallel_loop3A_519 = vector.shape_cast %parallel_loop3A_518 : vector<1x16xf32> to vector<16xf32>
            %parallel_loop3A_520 = arith.constant 0 : i32
            %parallel_loop3A_521 = arith.constant 0 : i32
            %parallel_loop3A_522 = arith.constant 0 : i32
            %parallel_loop3A_523 = tpu.memref_slice %run_scoped3A_20[%rem3A_348, %parallel_loop3A_520, %parallel_loop3A_521, %parallel_loop3A_522] : memref<2x1x256x128xf32, #tpu.memory_space<vmem>> -> memref<1x1x256x128xf32, #tpu.memory_space<vmem>>
            %parallel_loop3A_524 = tpu.memref_squeeze %parallel_loop3A_523 : memref<1x1x256x128xf32, #tpu.memory_space<vmem>> -> memref<1x256x128xf32, #tpu.memory_space<vmem>>
            %parallel_loop3A_525 = arith.constant 0 : i32
            %parallel_loop3A_526 = arith.constant 0 : i32
            %parallel_loop3A_527 = tpu.memref_slice %parallel_loop3A_524[%parallel_loop3A_351, %parallel_loop3A_525, %parallel_loop3A_526] : memref<1x256x128xf32, #tpu.memory_space<vmem>> -> memref<1x256x128xf32, #tpu.memory_space<vmem>>
            %parallel_loop3A_528 = tpu.memref_squeeze %parallel_loop3A_527 : memref<1x256x128xf32, #tpu.memory_space<vmem>> -> memref<256x128xf32, #tpu.memory_space<vmem>>
            %parallel_loop3A_529 = arith.index_cast %parallel_loop3A_445 : i32 to index
            %parallel_loop3A_530 = arith.constant 48 : index
            %parallel_loop3A_531 = tpu.vector_load %parallel_loop3A_528[%parallel_loop3A_529, %parallel_loop3A_530] {strides = array<i32>} : memref<256x128xf32, #tpu.memory_space<vmem>>, vector<1x16xf32>,
            %parallel_loop3A_532 = vector.shape_cast %parallel_loop3A_531 : vector<1x16xf32> to vector<16xf32>
            %parallel_loop3A_533 = vector.shape_cast %parallel_loop3A_519 : vector<16xf32> to vector<1x16xf32>
            tpu.vector_store %parallel_loop3A_528[%parallel_loop3A_529, %parallel_loop3A_530], %parallel_loop3A_533 {strides = array<i32>} : memref<256x128xf32, #tpu.memory_space<vmem>>, vector<1x16xf32>,
            %parallel_loop3A_534 = arith.constant 4 : i32
            %parallel_loop3A_535 = arith.muli %parallel_loop3A_534, %parallel_loop3A_445 : i32
            %parallel_loop3A_536 = arith.constant 2 : i32
            %parallel_loop3A_537 = arith.addi %parallel_loop3A_535, %parallel_loop3A_536 : i32
            %parallel_loop3A_538 = arith.index_cast %parallel_loop3A_537 : i32 to index
            %parallel_loop3A_539 = arith.constant 0 : index
            %parallel_loop3A_540 = tpu.vector_load %arg5[%parallel_loop3A_538, %parallel_loop3A_539] {strides = array<i32>} : memref<1024x32xf32, #tpu.memory_space<vmem>>, vector<1x16xf32>,
            %parallel_loop3A_541 = vector.shape_cast %parallel_loop3A_540 : vector<1x16xf32> to vector<16xf32>
            %parallel_loop3A_542 = arith.constant 0 : i32
            %parallel_loop3A_543 = arith.constant 0 : i32
            %parallel_loop3A_544 = arith.constant 0 : i32
            %parallel_loop3A_545 = tpu.memref_slice %run_scoped3A_20[%rem3A_348, %parallel_loop3A_542, %parallel_loop3A_543, %parallel_loop3A_544] : memref<2x1x256x128xf32, #tpu.memory_space<vmem>> -> memref<1x1x256x128xf32, #tpu.memory_space<vmem>>
            %parallel_loop3A_546 = tpu.memref_squeeze %parallel_loop3A_545 : memref<1x1x256x128xf32, #tpu.memory_space<vmem>> -> memref<1x256x128xf32, #tpu.memory_space<vmem>>
            %parallel_loop3A_547 = arith.constant 0 : i32
            %parallel_loop3A_548 = arith.constant 0 : i32
            %parallel_loop3A_549 = tpu.memref_slice %parallel_loop3A_546[%parallel_loop3A_351, %parallel_loop3A_547, %parallel_loop3A_548] : memref<1x256x128xf32, #tpu.memory_space<vmem>> -> memref<1x256x128xf32, #tpu.memory_space<vmem>>
            %parallel_loop3A_550 = tpu.memref_squeeze %parallel_loop3A_549 : memref<1x256x128xf32, #tpu.memory_space<vmem>> -> memref<256x128xf32, #tpu.memory_space<vmem>>
            %parallel_loop3A_551 = arith.index_cast %parallel_loop3A_445 : i32 to index
            %parallel_loop3A_552 = arith.constant 64 : index
            %parallel_loop3A_553 = tpu.vector_load %parallel_loop3A_550[%parallel_loop3A_551, %parallel_loop3A_552] {strides = array<i32>} : memref<256x128xf32, #tpu.memory_space<vmem>>, vector<1x16xf32>,
            %parallel_loop3A_554 = vector.shape_cast %parallel_loop3A_553 : vector<1x16xf32> to vector<16xf32>
            %parallel_loop3A_555 = vector.shape_cast %parallel_loop3A_541 : vector<16xf32> to vector<1x16xf32>
            tpu.vector_store %parallel_loop3A_550[%parallel_loop3A_551, %parallel_loop3A_552], %parallel_loop3A_555 {strides = array<i32>} : memref<256x128xf32, #tpu.memory_space<vmem>>, vector<1x16xf32>,
            %parallel_loop3A_556 = arith.constant 4 : i32
            %parallel_loop3A_557 = arith.muli %parallel_loop3A_556, %parallel_loop3A_445 : i32
            %parallel_loop3A_558 = arith.constant 2 : i32
            %parallel_loop3A_559 = arith.addi %parallel_loop3A_557, %parallel_loop3A_558 : i32
            %parallel_loop3A_560 = arith.index_cast %parallel_loop3A_559 : i32 to index
            %parallel_loop3A_561 = arith.constant 16 : index
            %parallel_loop3A_562 = tpu.vector_load %arg5[%parallel_loop3A_560, %parallel_loop3A_561] {strides = array<i32>} : memref<1024x32xf32, #tpu.memory_space<vmem>>, vector<1x16xf32>,
            %parallel_loop3A_563 = vector.shape_cast %parallel_loop3A_562 : vector<1x16xf32> to vector<16xf32>
            %parallel_loop3A_564 = arith.constant 0 : i32
            %parallel_loop3A_565 = arith.constant 0 : i32
            %parallel_loop3A_566 = arith.constant 0 : i32
            %parallel_loop3A_567 = tpu.memref_slice %run_scoped3A_20[%rem3A_348, %parallel_loop3A_564, %parallel_loop3A_565, %parallel_loop3A_566] : memref<2x1x256x128xf32, #tpu.memory_space<vmem>> -> memref<1x1x256x128xf32, #tpu.memory_space<vmem>>
            %parallel_loop3A_568 = tpu.memref_squeeze %parallel_loop3A_567 : memref<1x1x256x128xf32, #tpu.memory_space<vmem>> -> memref<1x256x128xf32, #tpu.memory_space<vmem>>
            %parallel_loop3A_569 = arith.constant 0 : i32
            %parallel_loop3A_570 = arith.constant 0 : i32
            %parallel_loop3A_571 = tpu.memref_slice %parallel_loop3A_568[%parallel_loop3A_351, %parallel_loop3A_569, %parallel_loop3A_570] : memref<1x256x128xf32, #tpu.memory_space<vmem>> -> memref<1x256x128xf32, #tpu.memory_space<vmem>>
            %parallel_loop3A_572 = tpu.memref_squeeze %parallel_loop3A_571 : memref<1x256x128xf32, #tpu.memory_space<vmem>> -> memref<256x128xf32, #tpu.memory_space<vmem>>
            %parallel_loop3A_573 = arith.index_cast %parallel_loop3A_445 : i32 to index
            %parallel_loop3A_574 = arith.constant 80 : index
            %parallel_loop3A_575 = tpu.vector_load %parallel_loop3A_572[%parallel_loop3A_573, %parallel_loop3A_574] {strides = array<i32>} : memref<256x128xf32, #tpu.memory_space<vmem>>, vector<1x16xf32>,
            %parallel_loop3A_576 = vector.shape_cast %parallel_loop3A_575 : vector<1x16xf32> to vector<16xf32>
            %parallel_loop3A_577 = vector.shape_cast %parallel_loop3A_563 : vector<16xf32> to vector<1x16xf32>
            tpu.vector_store %parallel_loop3A_572[%parallel_loop3A_573, %parallel_loop3A_574], %parallel_loop3A_577 {strides = array<i32>} : memref<256x128xf32, #tpu.memory_space<vmem>>, vector<1x16xf32>,
            %parallel_loop3A_578 = arith.constant 4 : i32
            %parallel_loop3A_579 = arith.muli %parallel_loop3A_578, %parallel_loop3A_445 : i32
            %parallel_loop3A_580 = arith.constant 3 : i32
            %parallel_loop3A_581 = arith.addi %parallel_loop3A_579, %parallel_loop3A_580 : i32
            %parallel_loop3A_582 = arith.index_cast %parallel_loop3A_581 : i32 to index
            %parallel_loop3A_583 = arith.constant 0 : index
            %parallel_loop3A_584 = tpu.vector_load %arg5[%parallel_loop3A_582, %parallel_loop3A_583] {strides = array<i32>} : memref<1024x32xf32, #tpu.memory_space<vmem>>, vector<1x16xf32>,
            %parallel_loop3A_585 = vector.shape_cast %parallel_loop3A_584 : vector<1x16xf32> to vector<16xf32>
            %parallel_loop3A_586 = arith.constant 0 : i32
            %parallel_loop3A_587 = arith.constant 0 : i32
            %parallel_loop3A_588 = arith.constant 0 : i32
            %parallel_loop3A_589 = tpu.memref_slice %run_scoped3A_20[%rem3A_348, %parallel_loop3A_586, %parallel_loop3A_587, %parallel_loop3A_588] : memref<2x1x256x128xf32, #tpu.memory_space<vmem>> -> memref<1x1x256x128xf32, #tpu.memory_space<vmem>>
            %parallel_loop3A_590 = tpu.memref_squeeze %parallel_loop3A_589 : memref<1x1x256x128xf32, #tpu.memory_space<vmem>> -> memref<1x256x128xf32, #tpu.memory_space<vmem>>
            %parallel_loop3A_591 = arith.constant 0 : i32
            %parallel_loop3A_592 = arith.constant 0 : i32
            %parallel_loop3A_593 = tpu.memref_slice %parallel_loop3A_590[%parallel_loop3A_351, %parallel_loop3A_591, %parallel_loop3A_592] : memref<1x256x128xf32, #tpu.memory_space<vmem>> -> memref<1x256x128xf32, #tpu.memory_space<vmem>>
            %parallel_loop3A_594 = tpu.memref_squeeze %parallel_loop3A_593 : memref<1x256x128xf32, #tpu.memory_space<vmem>> -> memref<256x128xf32, #tpu.memory_space<vmem>>
            %parallel_loop3A_595 = arith.index_cast %parallel_loop3A_445 : i32 to index
            %parallel_loop3A_596 = arith.constant 96 : index
            %parallel_loop3A_597 = tpu.vector_load %parallel_loop3A_594[%parallel_loop3A_595, %parallel_loop3A_596] {strides = array<i32>} : memref<256x128xf32, #tpu.memory_space<vmem>>, vector<1x16xf32>,
            %parallel_loop3A_598 = vector.shape_cast %parallel_loop3A_597 : vector<1x16xf32> to vector<16xf32>
            %parallel_loop3A_599 = vector.shape_cast %parallel_loop3A_585 : vector<16xf32> to vector<1x16xf32>
            tpu.vector_store %parallel_loop3A_594[%parallel_loop3A_595, %parallel_loop3A_596], %parallel_loop3A_599 {strides = array<i32>} : memref<256x128xf32, #tpu.memory_space<vmem>>, vector<1x16xf32>,
            %parallel_loop3A_600 = arith.constant 4 : i32
            %parallel_loop3A_601 = arith.muli %parallel_loop3A_600, %parallel_loop3A_445 : i32
            %parallel_loop3A_602 = arith.constant 3 : i32
            %parallel_loop3A_603 = arith.addi %parallel_loop3A_601, %parallel_loop3A_602 : i32
            %parallel_loop3A_604 = arith.index_cast %parallel_loop3A_603 : i32 to index
            %parallel_loop3A_605 = arith.constant 16 : index
            %parallel_loop3A_606 = tpu.vector_load %arg5[%parallel_loop3A_604, %parallel_loop3A_605] {strides = array<i32>} : memref<1024x32xf32, #tpu.memory_space<vmem>>, vector<1x16xf32>,
            %parallel_loop3A_607 = vector.shape_cast %parallel_loop3A_606 : vector<1x16xf32> to vector<16xf32>
            %parallel_loop3A_608 = arith.constant 0 : i32
            %parallel_loop3A_609 = arith.constant 0 : i32
            %parallel_loop3A_610 = arith.constant 0 : i32
            %parallel_loop3A_611 = tpu.memref_slice %run_scoped3A_20[%rem3A_348, %parallel_loop3A_608, %parallel_loop3A_609, %parallel_loop3A_610] : memref<2x1x256x128xf32, #tpu.memory_space<vmem>> -> memref<1x1x256x128xf32, #tpu.memory_space<vmem>>
            %parallel_loop3A_612 = tpu.memref_squeeze %parallel_loop3A_611 : memref<1x1x256x128xf32, #tpu.memory_space<vmem>> -> memref<1x256x128xf32, #tpu.memory_space<vmem>>
            %parallel_loop3A_613 = arith.constant 0 : i32
            %parallel_loop3A_614 = arith.constant 0 : i32
            %parallel_loop3A_615 = tpu.memref_slice %parallel_loop3A_612[%parallel_loop3A_351, %parallel_loop3A_613, %parallel_loop3A_614] : memref<1x256x128xf32, #tpu.memory_space<vmem>> -> memref<1x256x128xf32, #tpu.memory_space<vmem>>
            %parallel_loop3A_616 = tpu.memref_squeeze %parallel_loop3A_615 : memref<1x256x128xf32, #tpu.memory_space<vmem>> -> memref<256x128xf32, #tpu.memory_space<vmem>>
            %parallel_loop3A_617 = arith.index_cast %parallel_loop3A_445 : i32 to index
            %parallel_loop3A_618 = arith.constant 112 : index
            %parallel_loop3A_619 = tpu.vector_load %parallel_loop3A_616[%parallel_loop3A_617, %parallel_loop3A_618] {strides = array<i32>} : memref<256x128xf32, #tpu.memory_space<vmem>>, vector<1x16xf32>,
            %parallel_loop3A_620 = vector.shape_cast %parallel_loop3A_619 : vector<1x16xf32> to vector<16xf32>
            %parallel_loop3A_621 = vector.shape_cast %parallel_loop3A_607 : vector<16xf32> to vector<1x16xf32>
            tpu.vector_store %parallel_loop3A_616[%parallel_loop3A_617, %parallel_loop3A_618], %parallel_loop3A_621 {strides = array<i32>} : memref<256x128xf32, #tpu.memory_space<vmem>>, vector<1x16xf32>,
          } {sc.loop_unroll_factor = 8 : i64, sc.parallel_access}
          "tpu.trace_stop"() : () -> ()
          %mul3A_352 = arith.constant 4 : i32
          %mul3A_353 = arith.muli %add3A_228, %mul3A_352 : i32
          %add3A_354 = arith.addi %mul3A_353, %add3A_230 : i32
          %mul3A_355 = arith.constant 4 : i32
          %mul3A_356 = arith.muli %add3A_264, %mul3A_355 : i32
          %add3A_357 = arith.addi %mul3A_356, %add3A_266 : i32
          %ne3A_358 = arith.cmpi ne, %add3A_354, %add3A_357 : i32
          %or3A_359 = arith.constant false
          %or3A_360 = arith.ori %or3A_359, %ne3A_358 : i1
          %or3A_361 = arith.ori %or3A_360, %eq3A_227 : i1
          %convert_element_type3A_362 = arith.extui %or3A_361 : i1 to i32
          %cond3A_363 = arith.constant 0 : i32
          %cond3A_364 = arith.cmpi ne, %convert_element_type3A_362, %cond3A_363 : i32
          scf.if %cond3A_364 {
          } else {
          }
          %and3A_365 = arith.constant false
          %and3A_366 = arith.andi %or3A_361, %and3A_365 : i1
          %ne3A_367 = arith.cmpi ne, %add3A_228, %add3A_264 : i32
          %ne3A_368 = arith.cmpi ne, %add3A_230, %add3A_266 : i32
          %or3A_369 = arith.constant false
          %or3A_370 = arith.ori %or3A_369, %ne3A_367 : i1
          %or3A_371 = arith.ori %or3A_370, %ne3A_368 : i1
          %or3A_372 = arith.constant false
          %or3A_373 = arith.ori %or3A_371, %or3A_372 : i1
          %or3A_374 = arith.ori %or3A_373, %eq3A_227 : i1
          %convert_element_type3A_375 = arith.extui %or3A_374 : i1 to i32
          %cond3A_376 = arith.constant 0 : i32
          %cond3A_377 = arith.cmpi ne, %convert_element_type3A_375, %cond3A_376 : i32
          scf.if %cond3A_377 {
            "tpu.trace_start"() <{level = 10 : i32, message = "ep_copy_out"}> : () -> ()
            %rem3A_445 = arith.constant 2 : i32
            %rem3A_446 = arith.remui %while3A_215, %rem3A_445 : i32
            %mul3A_447 = arith.constant 1 : i32
            %mul3A_448 = arith.muli %mul3A_447, %add3A_228 : i32
            %mul3A_449 = arith.constant 256 : i32
            %mul3A_450 = arith.muli %mul3A_449, %add3A_230 : i32
            %dma_start3A_451 = arith.constant 0 : i32
            %dma_start3A_452 = arith.constant 0 : i32
            %dma_start3A_453 = arith.constant 0 : i32
            %dma_start3A_454 = tpu.memref_slice %run_scoped3A_20[%rem3A_446, %dma_start3A_451, %dma_start3A_452, %dma_start3A_453] : memref<2x1x256x128xf32, #tpu.memory_space<vmem>> -> memref<1x1x256x128xf32, #tpu.memory_space<vmem>>
            %dma_start3A_455 = tpu.memref_squeeze %dma_start3A_454 : memref<1x1x256x128xf32, #tpu.memory_space<vmem>> -> memref<1x256x128xf32, #tpu.memory_space<vmem>>
            %dma_start3A_456 = arith.constant 0 : i32
            %dma_start3A_457 = tpu.memref_slice %arg4[%mul3A_448, %mul3A_450, %dma_start3A_456] : memref<200x1024x128xf32, #tpu.memory_space<hbm>> -> memref<1x256x128xf32, #tpu.memory_space<hbm>>
            %dma_start3A_458 = tpu.memref_slice %run_scoped3A_21[%rem3A_446] : memref<2x!tpu.dma_semaphore, #tpu.memory_space<semaphore_mem>> -> memref<1x!tpu.dma_semaphore, #tpu.memory_space<semaphore_mem>>
            %dma_start3A_459 = tpu.memref_squeeze %dma_start3A_458 : memref<1x!tpu.dma_semaphore, #tpu.memory_space<semaphore_mem>> -> memref<!tpu.dma_semaphore, #tpu.memory_space<semaphore_mem>>
            %dma_start3A_460 = arith.constant 0 : i32
            %dma_start3A_461 = tpu.memref_slice %arg4[%mul3A_448, %mul3A_450, %dma_start3A_460] : memref<200x1024x128xf32, #tpu.memory_space<hbm>> -> memref<1x256x128xf32, #tpu.memory_space<hbm>>
            %dma_start3A_462 = arith.constant 0 : i32
            %dma_start3A_463 = arith.constant 0 : i32
            %dma_start3A_464 = arith.constant 0 : i32
            %dma_start3A_465 = tpu.memref_slice %run_scoped3A_20[%rem3A_446, %dma_start3A_462, %dma_start3A_463, %dma_start3A_464] : memref<2x1x256x128xf32, #tpu.memory_space<vmem>> -> memref<1x1x256x128xf32, #tpu.memory_space<vmem>>
            %dma_start3A_466 = tpu.memref_squeeze %dma_start3A_465 : memref<1x1x256x128xf32, #tpu.memory_space<vmem>> -> memref<1x256x128xf32, #tpu.memory_space<vmem>>
            tpu.enqueue_dma source(%dma_start3A_466 : memref<1x256x128xf32, #tpu.memory_space<vmem>>) target(%dma_start3A_461 : memref<1x256x128xf32, #tpu.memory_space<hbm>>) target_semaphore(%dma_start3A_459 : memref<!tpu.dma_semaphore, #tpu.memory_space<semaphore_mem>>)
            "tpu.trace_stop"() : () -> ()
          } else {
          }
          %and3A_378 = arith.constant true
          %and3A_379 = arith.andi %or3A_374, %and3A_378 : i1
          %add3A_380 = arith.constant 1 : i32
          %add3A_381 = arith.addi %while3A_215, %add3A_380 : i32
          %select_n3A_382 = arith.select %and3A_379, %add3A_381, %while3A_215 : i32
          %mul3A_383 = arith.constant 4 : i32
          %mul3A_384 = arith.muli %add3A_228, %mul3A_383 : i32
          %add3A_385 = arith.addi %mul3A_384, %add3A_230 : i32
          %mul3A_386 = arith.constant 4 : i32
          %mul3A_387 = arith.muli %add3A_247, %mul3A_386 : i32
          %add3A_388 = arith.addi %mul3A_387, %add3A_249 : i32
          %ne3A_389 = arith.cmpi ne, %add3A_385, %add3A_388 : i32
          %or3A_390 = arith.constant false
          %or3A_391 = arith.ori %or3A_390, %ne3A_389 : i1
          %not3A_392 = arith.constant true
          %not3A_393 = arith.xori %eq3A_224, %not3A_392 : i1
          %and3A_394 = arith.andi %or3A_391, %not3A_393 : i1
          %convert_element_type3A_395 = arith.extui %and3A_394 : i1 to i32
          %cond3A_396 = arith.constant 0 : i32
          %cond3A_397 = arith.cmpi ne, %convert_element_type3A_395, %cond3A_396 : i32
          scf.if %cond3A_397 {
          } else {
          }
          %and3A_398 = arith.constant false
          %and3A_399 = arith.andi %and3A_394, %and3A_398 : i1
          %ne3A_400 = arith.cmpi ne, %add3A_228, %add3A_247 : i32
          %ne3A_401 = arith.cmpi ne, %add3A_230, %add3A_249 : i32
          %or3A_402 = arith.constant false
          %or3A_403 = arith.ori %or3A_402, %ne3A_400 : i1
          %or3A_404 = arith.ori %or3A_403, %ne3A_401 : i1
          %or3A_405 = arith.constant false
          %or3A_406 = arith.ori %or3A_404, %or3A_405 : i1
          %not3A_407 = arith.constant true
          %not3A_408 = arith.xori %eq3A_224, %not3A_407 : i1
          %and3A_409 = arith.andi %or3A_406, %not3A_408 : i1
          %convert_element_type3A_410 = arith.extui %and3A_409 : i1 to i32
          %cond3A_411 = arith.constant 0 : i32
          %cond3A_412 = arith.cmpi ne, %convert_element_type3A_410, %cond3A_411 : i32
          scf.if %cond3A_412 {
            "tpu.trace_start"() <{level = 10 : i32, message = "ep_wait_out"}> : () -> ()
            %rem3A_445 = arith.constant 2 : i32
            %rem3A_446 = arith.remui %while3A_216, %rem3A_445 : i32
            %mul3A_447 = arith.constant 1 : i32
            %mul3A_448 = arith.muli %mul3A_447, %add3A_247 : i32
            %mul3A_449 = arith.constant 256 : i32
            %mul3A_450 = arith.muli %mul3A_449, %add3A_249 : i32
            %dma_wait3A = arith.constant 0 : i32
            %dma_wait3A_451 = arith.constant 0 : i32
            %dma_wait3A_452 = arith.constant 0 : i32
            %dma_wait3A_453 = tpu.memref_slice %run_scoped3A_20[%rem3A_446, %dma_wait3A, %dma_wait3A_451, %dma_wait3A_452] : memref<2x1x256x128xf32, #tpu.memory_space<vmem>> -> memref<1x1x256x128xf32, #tpu.memory_space<vmem>>
            %dma_wait3A_454 = tpu.memref_squeeze %dma_wait3A_453 : memref<1x1x256x128xf32, #tpu.memory_space<vmem>> -> memref<1x256x128xf32, #tpu.memory_space<vmem>>
            %dma_wait3A_455 = arith.constant 0 : i32
            %dma_wait3A_456 = tpu.memref_slice %arg4[%mul3A_448, %mul3A_450, %dma_wait3A_455] : memref<200x1024x128xf32, #tpu.memory_space<hbm>> -> memref<1x256x128xf32, #tpu.memory_space<hbm>>
            %dma_wait3A_457 = tpu.memref_slice %run_scoped3A_21[%rem3A_446] : memref<2x!tpu.dma_semaphore, #tpu.memory_space<semaphore_mem>> -> memref<1x!tpu.dma_semaphore, #tpu.memory_space<semaphore_mem>>
            %dma_wait3A_458 = tpu.memref_squeeze %dma_wait3A_457 : memref<1x!tpu.dma_semaphore, #tpu.memory_space<semaphore_mem>> -> memref<!tpu.dma_semaphore, #tpu.memory_space<semaphore_mem>>
            %dma_wait3A_459 = arith.constant 0 : i32
            %dma_wait3A_460 = tpu.memref_slice %arg4[%mul3A_448, %mul3A_450, %dma_wait3A_459] : memref<200x1024x128xf32, #tpu.memory_space<hbm>> -> memref<1x256x128xf32, #tpu.memory_space<hbm>>
            %dma_wait3A_461 = arith.constant 0 : i32
            %dma_wait3A_462 = arith.constant 0 : i32
            %dma_wait3A_463 = arith.constant 0 : i32
            %dma_wait3A_464 = tpu.memref_slice %run_scoped3A_20[%rem3A_446, %dma_wait3A_461, %dma_wait3A_462, %dma_wait3A_463] : memref<2x1x256x128xf32, #tpu.memory_space<vmem>> -> memref<1x1x256x128xf32, #tpu.memory_space<vmem>>
            %dma_wait3A_465 = tpu.memref_squeeze %dma_wait3A_464 : memref<1x1x256x128xf32, #tpu.memory_space<vmem>> -> memref<1x256x128xf32, #tpu.memory_space<vmem>>
            tpu.wait_dma2 semaphore(%dma_wait3A_458 : memref<!tpu.dma_semaphore, #tpu.memory_space<semaphore_mem>>) src(%dma_wait3A_465 : memref<1x256x128xf32, #tpu.memory_space<vmem>>) dst(%dma_wait3A_460 : memref<1x256x128xf32, #tpu.memory_space<hbm>>)
            "tpu.trace_stop"() : () -> ()
          } else {
          }
          %and3A_413 = arith.constant true
          %and3A_414 = arith.andi %and3A_409, %and3A_413 : i1
          %add3A_415 = arith.constant 1 : i32
          %add3A_416 = arith.addi %while3A_216, %add3A_415 : i32
          %select_n3A_417 = arith.select %and3A_414, %add3A_416, %while3A_216 : i32
          %mul3A_418 = arith.constant 4 : i32
          %mul3A_419 = arith.muli %add3A_228, %mul3A_418 : i32
          %add3A_420 = arith.addi %mul3A_419, %add3A_230 : i32
          %mul3A_421 = arith.constant 4 : i32
          %mul3A_422 = arith.muli %add3A_264, %mul3A_421 : i32
          %add3A_423 = arith.addi %mul3A_422, %add3A_266 : i32
          %ne3A_424 = arith.cmpi ne, %add3A_420, %add3A_423 : i32
          %or3A_425 = arith.constant false
          %or3A_426 = arith.ori %or3A_425, %ne3A_424 : i1
          %or3A_427 = arith.ori %or3A_426, %eq3A_227 : i1
          %add3A_428 = arith.constant 1 : i32
          %add3A_429 = arith.addi %while3A_214, %add3A_428 : i32
          %select_n3A_430 = arith.select %or3A_427, %add3A_429, %while3A_214 : i32
          %add3A_431 = arith.constant 1 : i32
          %add3A_432 = arith.addi %while3A_218, %add3A_431 : i32
          %select_n3A_433 = arith.constant true
          %select_n3A_434 = arith.select %select_n3A_433, %add3A_432, %while3A_218 : i32
          %eq3A_435 = arith.constant 4 : i32
          %eq3A_436 = arith.cmpi eq, %select_n3A_434, %eq3A_435 : i32
          %select_n3A_437 = arith.constant 0 : i32
          %select_n3A_438 = arith.select %eq3A_436, %select_n3A_437, %select_n3A_434 : i32
          %add3A_439 = arith.constant 1 : i32
          %add3A_440 = arith.addi %while3A_217, %add3A_439 : i32
          %select_n3A_441 = arith.select %eq3A_436, %add3A_440, %while3A_217 : i32
          %eq3A_442 = arith.cmpi eq, %select_n3A_441, %select_n3A : i32
          %select_n3A_443 = arith.constant 0 : i32
          %select_n3A_444 = arith.select %eq3A_442, %select_n3A_443, %select_n3A_441 : i32
          scf.yield %select_n3A_303, %select_n3A_430, %select_n3A_382, %select_n3A_417, %select_n3A_444, %select_n3A_438 : i32, i32, i32, i32, i32, i32
        }
        %while3A_121 = arith.constant 1 : i32
        %while3A_122:6 = scf.for %while3A_212 = %while3A_118 to %while3A_114 step %while3A_121 iter_args(%while3A_213 = %while3A_120#0, %while3A_214 = %while3A_120#1, %while3A_215 = %while3A_120#2, %while3A_216 = %while3A_120#3, %while3A_217 = %while3A_120#4, %while3A_218 = %while3A_120#5) -> (i32, i32, i32, i32, i32, i32)  : i32 {
          %mul3A_219 = arith.constant 1 : i32
          %mul3A_220 = arith.muli %mul3A_219, %select_n3A : i32
          %mul3A_221 = arith.constant 4 : i32
          %mul3A_222 = arith.muli %mul3A_220, %mul3A_221 : i32
          %eq3A_223 = arith.constant 0 : i32
          %eq3A_224 = arith.cmpi eq, %while3A_212, %eq3A_223 : i32
          %sub3A_225 = arith.constant 1 : i32
          %sub3A_226 = arith.subi %mul3A_222, %sub3A_225 : i32
          %eq3A_227 = arith.cmpi eq, %while3A_212, %sub3A_226 : i32
          %add3A_228 = arith.addi %while3A_217, %select_n3A_14 : i32
          %add3A_229 = arith.constant 0 : i32
          %add3A_230 = arith.addi %while3A_218, %add3A_229 : i32
          %sub3A_231 = arith.constant 1 : i32
          %sub3A_232 = arith.subi %while3A_218, %sub3A_231 : i32
          %select_n3A_233 = arith.constant true
          %select_n3A_234 = arith.select %select_n3A_233, %sub3A_232, %while3A_218 : i32
          %eq3A_235 = arith.constant -1 : i32
          %eq3A_236 = arith.cmpi eq, %select_n3A_234, %eq3A_235 : i32
          %select_n3A_237 = arith.constant 3 : i32
          %select_n3A_238 = arith.select %eq3A_236, %select_n3A_237, %select_n3A_234 : i32
          %sub3A_239 = arith.constant 1 : i32
          %sub3A_240 = arith.subi %while3A_217, %sub3A_239 : i32
          %select_n3A_241 = arith.select %eq3A_236, %sub3A_240, %while3A_217 : i32
          %eq3A_242 = arith.constant -1 : i32
          %eq3A_243 = arith.cmpi eq, %select_n3A_241, %eq3A_242 : i32
          %sub3A_244 = arith.constant 1 : i32
          %sub3A_245 = arith.subi %select_n3A, %sub3A_244 : i32
          %select_n3A_246 = arith.select %eq3A_243, %sub3A_245, %select_n3A_241 : i32
          %add3A_247 = arith.addi %select_n3A_246, %select_n3A_14 : i32
          %add3A_248 = arith.constant 0 : i32
          %add3A_249 = arith.addi %select_n3A_238, %add3A_248 : i32
          %add3A_250 = arith.constant 1 : i32
          %add3A_251 = arith.addi %while3A_218, %add3A_250 : i32
          %select_n3A_252 = arith.constant true
          %select_n3A_253 = arith.select %select_n3A_252, %add3A_251, %while3A_218 : i32
          %eq3A_254 = arith.constant 4 : i32
          %eq3A_255 = arith.cmpi eq, %select_n3A_253, %eq3A_254 : i32
          %select_n3A_256 = arith.constant 0 : i32
          %select_n3A_257 = arith.select %eq3A_255, %select_n3A_256, %select_n3A_253 : i32
          %add3A_258 = arith.constant 1 : i32
          %add3A_259 = arith.addi %while3A_217, %add3A_258 : i32
          %select_n3A_260 = arith.select %eq3A_255, %add3A_259, %while3A_217 : i32
          %eq3A_261 = arith.cmpi eq, %select_n3A_260, %select_n3A : i32
          %select_n3A_262 = arith.constant 0 : i32
          %select_n3A_263 = arith.select %eq3A_261, %select_n3A_262, %select_n3A_260 : i32
          %add3A_264 = arith.addi %select_n3A_263, %select_n3A_14 : i32
          %add3A_265 = arith.constant 0 : i32
          %add3A_266 = arith.addi %select_n3A_257, %add3A_265 : i32
          %add3A_267 = arith.constant 1 : i32
          %add3A_268 = arith.addi %select_n3A_257, %add3A_267 : i32
          %select_n3A_269 = arith.constant true
          %select_n3A_270 = arith.select %select_n3A_269, %add3A_268, %select_n3A_257 : i32
          %eq3A_271 = arith.constant 4 : i32
          %eq3A_272 = arith.cmpi eq, %select_n3A_270, %eq3A_271 : i32
          %select_n3A_273 = arith.constant 0 : i32
          %select_n3A_274 = arith.select %eq3A_272, %select_n3A_273, %select_n3A_270 : i32
          %add3A_275 = arith.constant 1 : i32
          %add3A_276 = arith.addi %select_n3A_263, %add3A_275 : i32
          %select_n3A_277 = arith.select %eq3A_272, %add3A_276, %select_n3A_263 : i32
          %eq3A_278 = arith.cmpi eq, %select_n3A_277, %select_n3A : i32
          %select_n3A_279 = arith.constant 0 : i32
          %select_n3A_280 = arith.select %eq3A_278, %select_n3A_279, %select_n3A_277 : i32
          %add3A_281 = arith.addi %select_n3A_280, %select_n3A_14 : i32
          %add3A_282 = arith.constant 0 : i32
          %add3A_283 = arith.addi %select_n3A_274, %add3A_282 : i32
          %mul3A_284 = arith.constant 4 : i32
          %mul3A_285 = arith.muli %add3A_228, %mul3A_284 : i32
          %add3A_286 = arith.addi %mul3A_285, %add3A_230 : i32
          %mul3A_287 = arith.constant 4 : i32
          %mul3A_288 = arith.muli %add3A_264, %mul3A_287 : i32
          %add3A_289 = arith.addi %mul3A_288, %add3A_266 : i32
          %ne3A = arith.cmpi ne, %add3A_286, %add3A_289 : i32
          %or3A = arith.constant false
          %or3A_290 = arith.ori %or3A, %ne3A : i1
          %sub3A_291 = arith.constant 2 : i32
          %sub3A_292 = arith.subi %mul3A_222, %sub3A_291 : i32
          %add3A_293 = arith.constant 1 : i32
          %add3A_294 = arith.addi %sub3A_292, %add3A_293 : i32
          %ge3A = arith.cmpi sge, %while3A_212, %add3A_294 : i32
          %not3A = arith.constant true
          %not3A_295 = arith.xori %ge3A, %not3A : i1
          %and3A = arith.andi %or3A_290, %not3A_295 : i1
          %convert_element_type3A_296 = arith.extui %and3A : i1 to i32
          %cond3A_297 = arith.constant 0 : i32
          %cond3A_298 = arith.cmpi ne, %convert_element_type3A_296, %cond3A_297 : i32
          scf.if %cond3A_298 {
            "tpu.trace_start"() <{level = 10 : i32, message = "ep_copy_in"}> : () -> ()
            %rem3A_445 = arith.constant 2 : i32
            %rem3A_446 = arith.remui %while3A_213, %rem3A_445 : i32
            %mul3A_447 = arith.constant 4 : i32
            %mul3A_448 = arith.muli %add3A_264, %mul3A_447 : i32
            %add3A_449 = arith.addi %mul3A_448, %add3A_266 : i32
            %mul3A_450 = arith.constant 1024 : i32
            %mul3A_451 = arith.muli %mul3A_450, %add3A_449 : i32
            %mul3A_452 = arith.constant 1024 : i32
            %mul3A_453 = arith.muli %rem3A_446, %mul3A_452 : i32
            %add3A_454 = arith.constant 0 : i32
            %add3A_455 = arith.addi %mul3A_453, %add3A_454 : i32
            %dma_start3A_456 = tpu.memref_slice %run_scoped3A[%add3A_455] : memref<2048xi32, #tpu.memory_space<vmem>> -> memref<1024xi32, #tpu.memory_space<vmem>>
            %dma_start3A_457 = tpu.memref_slice %arg2[%mul3A_451] : memref<819200xi32, #tpu.memory_space<hbm>> -> memref<1024xi32, #tpu.memory_space<hbm>>
            %dma_start3A_458 = tpu.memref_slice %run_scoped3A_19[%rem3A_446] : memref<2x!tpu.dma_semaphore, #tpu.memory_space<semaphore_mem>> -> memref<1x!tpu.dma_semaphore, #tpu.memory_space<semaphore_mem>>
            %dma_start3A_459 = tpu.memref_squeeze %dma_start3A_458 : memref<1x!tpu.dma_semaphore, #tpu.memory_space<semaphore_mem>> -> memref<!tpu.dma_semaphore, #tpu.memory_space<semaphore_mem>>
            %dma_start3A_460 = tpu.memref_slice %run_scoped3A[%add3A_455] : memref<2048xi32, #tpu.memory_space<vmem>> -> memref<1024xi32, #tpu.memory_space<vmem>>
            %dma_start3A_461 = tpu.memref_slice %arg2[%mul3A_451] : memref<819200xi32, #tpu.memory_space<hbm>> -> memref<1024xi32, #tpu.memory_space<hbm>>
            tpu.enqueue_dma source(%dma_start3A_461 : memref<1024xi32, #tpu.memory_space<hbm>>) target(%dma_start3A_460 : memref<1024xi32, #tpu.memory_space<vmem>>) target_semaphore(%dma_start3A_459 : memref<!tpu.dma_semaphore, #tpu.memory_space<semaphore_mem>>)
            "tpu.trace_stop"() : () -> ()
          } else {
          }
          %and3A_299 = arith.constant true
          %and3A_300 = arith.andi %and3A, %and3A_299 : i1
          %add3A_301 = arith.constant 1 : i32
          %add3A_302 = arith.addi %while3A_213, %add3A_301 : i32
          %select_n3A_303 = arith.select %and3A_300, %add3A_302, %while3A_213 : i32
          %ne3A_304 = arith.cmpi ne, %add3A_228, %add3A_264 : i32
          %ne3A_305 = arith.cmpi ne, %add3A_230, %add3A_266 : i32
          %or3A_306 = arith.constant false
          %or3A_307 = arith.ori %or3A_306, %ne3A_304 : i1
          %or3A_308 = arith.ori %or3A_307, %ne3A_305 : i1
          %or3A_309 = arith.constant false
          %or3A_310 = arith.ori %or3A_308, %or3A_309 : i1
          %sub3A_311 = arith.constant 2 : i32
          %sub3A_312 = arith.subi %mul3A_222, %sub3A_311 : i32
          %add3A_313 = arith.constant 1 : i32
          %add3A_314 = arith.addi %sub3A_312, %add3A_313 : i32
          %ge3A_315 = arith.cmpi sge, %while3A_212, %add3A_314 : i32
          %not3A_316 = arith.constant true
          %not3A_317 = arith.xori %ge3A_315, %not3A_316 : i1
          %and3A_318 = arith.andi %or3A_310, %not3A_317 : i1
          %mul3A_319 = arith.constant 4 : i32
          %mul3A_320 = arith.muli %add3A_228, %mul3A_319 : i32
          %add3A_321 = arith.addi %mul3A_320, %add3A_230 : i32
          %mul3A_322 = arith.constant 4 : i32
          %mul3A_323 = arith.muli %add3A_247, %mul3A_322 : i32
          %add3A_324 = arith.addi %mul3A_323, %add3A_249 : i32
          %ne3A_325 = arith.cmpi ne, %add3A_321, %add3A_324 : i32
          %or3A_326 = arith.constant false
          %or3A_327 = arith.ori %or3A_326, %ne3A_325 : i1
          %or3A_328 = arith.ori %or3A_327, %eq3A_224 : i1
          %convert_element_type3A_329 = arith.extui %or3A_328 : i1 to i32
          %cond3A_330 = arith.constant 0 : i32
          %cond3A_331 = arith.cmpi ne, %convert_element_type3A_329, %cond3A_330 : i32
          scf.if %cond3A_331 {
            "tpu.trace_start"() <{level = 10 : i32, message = "ep_wait_in"}> : () -> ()
            %mul3A_445 = arith.constant 4 : i32
            %mul3A_446 = arith.muli %add3A_228, %mul3A_445 : i32
            %add3A_447 = arith.addi %mul3A_446, %add3A_230 : i32
            %mul3A_448 = arith.constant 1024 : i32
            %mul3A_449 = arith.muli %mul3A_448, %add3A_447 : i32
            %rem3A_450 = arith.constant 2 : i32
            %rem3A_451 = arith.remui %while3A_214, %rem3A_450 : i32
            %mul3A_452 = arith.constant 1024 : i32
            %mul3A_453 = arith.muli %rem3A_451, %mul3A_452 : i32
            %add3A_454 = arith.constant 0 : i32
            %add3A_455 = arith.addi %mul3A_453, %add3A_454 : i32
            %dma_wait3A = tpu.memref_slice %run_scoped3A[%add3A_455] : memref<2048xi32, #tpu.memory_space<vmem>> -> memref<1024xi32, #tpu.memory_space<vmem>>
            %dma_wait3A_456 = tpu.memref_slice %arg2[%mul3A_449] : memref<819200xi32, #tpu.memory_space<hbm>> -> memref<1024xi32, #tpu.memory_space<hbm>>
            %dma_wait3A_457 = tpu.memref_slice %run_scoped3A_19[%rem3A_451] : memref<2x!tpu.dma_semaphore, #tpu.memory_space<semaphore_mem>> -> memref<1x!tpu.dma_semaphore, #tpu.memory_space<semaphore_mem>>
            %dma_wait3A_458 = tpu.memref_squeeze %dma_wait3A_457 : memref<1x!tpu.dma_semaphore, #tpu.memory_space<semaphore_mem>> -> memref<!tpu.dma_semaphore, #tpu.memory_space<semaphore_mem>>
            %dma_wait3A_459 = tpu.memref_slice %run_scoped3A[%add3A_455] : memref<2048xi32, #tpu.memory_space<vmem>> -> memref<1024xi32, #tpu.memory_space<vmem>>
            %dma_wait3A_460 = tpu.memref_slice %arg2[%mul3A_449] : memref<819200xi32, #tpu.memory_space<hbm>> -> memref<1024xi32, #tpu.memory_space<hbm>>
            tpu.wait_dma2 semaphore(%dma_wait3A_458 : memref<!tpu.dma_semaphore, #tpu.memory_space<semaphore_mem>>) src(%dma_wait3A_460 : memref<1024xi32, #tpu.memory_space<hbm>>) dst(%dma_wait3A_459 : memref<1024xi32, #tpu.memory_space<vmem>>)
            "tpu.trace_stop"() : () -> ()
          } else {
          }
          %ne3A_332 = arith.cmpi ne, %add3A_228, %add3A_247 : i32
          %ne3A_333 = arith.cmpi ne, %add3A_230, %add3A_249 : i32
          %or3A_334 = arith.constant false
          %or3A_335 = arith.ori %or3A_334, %ne3A_332 : i1
          %or3A_336 = arith.ori %or3A_335, %ne3A_333 : i1
          %or3A_337 = arith.constant false
          %or3A_338 = arith.ori %or3A_336, %or3A_337 : i1
          %or3A_339 = arith.ori %or3A_338, %eq3A_224 : i1
          %convert_element_type3A_340 = arith.extui %or3A_339 : i1 to i32
          %cond3A_341 = arith.constant 0 : i32
          %cond3A_342 = arith.cmpi ne, %convert_element_type3A_340, %cond3A_341 : i32
          scf.if %cond3A_342 {
          } else {
          }
          %rem3A_343 = arith.constant 2 : i32
          %rem3A_344 = arith.remui %while3A_214, %rem3A_343 : i32
          %mul3A_345 = arith.constant 1024 : i32
          %mul3A_346 = arith.muli %rem3A_344, %mul3A_345 : i32
          %rem3A_347 = arith.constant 2 : i32
          %rem3A_348 = arith.remui %while3A_215, %rem3A_347 : i32
          "tpu.trace_start"() <{level = 10 : i32, message = "ep_run_kernel"}> : () -> ()
          "tpu.region"() ({
            %run_scoped3A_445 = tpu.sem_alloc : memref<!tpu.dma_semaphore, #tpu.memory_space<semaphore_mem>>
            %dma_start3A_446 = tpu.memref_slice %run_scoped3A[%mul3A_346] : memref<2048xi32, #tpu.memory_space<vmem>> -> memref<1024xi32, #tpu.memory_space<vmem>>
            %dma_start3A_447 = arith.constant 0 : i32
            %dma_start3A_448 = arith.constant 0 : i32
            %dma_start3A_449 = tpu.memref_slice %arg3[%dma_start3A_447, %dma_start3A_448] : memref<1007616x32xf32, #tpu.memory_space<hbm>> -> memref<1007616x32xf32, #tpu.memory_space<hbm>>
            tpu.enqueue_indirect_dma source(%dma_start3A_449 : memref<1007616x32xf32, #tpu.memory_space<hbm>>) target(%arg5 : memref<1024x32xf32, #tpu.memory_space<vmem>>) offsets(%dma_start3A_446 : memref<1024xi32, #tpu.memory_space<vmem>>) semaphore(%run_scoped3A_445 : memref<!tpu.dma_semaphore, #tpu.memory_space<semaphore_mem>>)
            %dma_wait3A = tpu.memref_slice %run_scoped3A[%mul3A_346] : memref<2048xi32, #tpu.memory_space<vmem>> -> memref<1024xi32, #tpu.memory_space<vmem>>
            %dma_wait3A_450 = arith.constant 0 : i32
            %dma_wait3A_451 = arith.constant 0 : i32
            %dma_wait3A_452 = tpu.memref_slice %arg3[%dma_wait3A_450, %dma_wait3A_451] : memref<1007616x32xf32, #tpu.memory_space<hbm>> -> memref<1007616x32xf32, #tpu.memory_space<hbm>>
            tpu.wait_indirect_dma semaphore(%run_scoped3A_445 : memref<!tpu.dma_semaphore, #tpu.memory_space<semaphore_mem>>) src(%dma_wait3A_452 : memref<1007616x32xf32, #tpu.memory_space<hbm>>) dst(%arg5 : memref<1024x32xf32, #tpu.memory_space<vmem>>)
            tpu.yield
          }) : () -> ()
          %parallel_loop3A = arith.constant 0 : i32
          %parallel_loop3A_349 = arith.constant 256 : i32
          %parallel_loop3A_350 = arith.constant 1 : i32
          %parallel_loop3A_351 = arith.constant 0 : i32
          scf.for %parallel_loop3A_445 = %parallel_loop3A to %parallel_loop3A_349 step %parallel_loop3A_350  : i32 {
            %parallel_loop3A_446 = arith.constant 4 : i32
            %parallel_loop3A_447 = arith.muli %parallel_loop3A_446, %parallel_loop3A_445 : i32
            %parallel_loop3A_448 = arith.constant 0 : i32
            %parallel_loop3A_449 = arith.addi %parallel_loop3A_447, %parallel_loop3A_448 : i32
            %parallel_loop3A_450 = arith.index_cast %parallel_loop3A_449 : i32 to index
            %parallel_loop3A_451 = arith.constant 0 : index
            %parallel_loop3A_452 = tpu.vector_load %arg5[%parallel_loop3A_450, %parallel_loop3A_451] {strides = array<i32>} : memref<1024x32xf32, #tpu.memory_space<vmem>>, vector<1x16xf32>,
            %parallel_loop3A_453 = vector.shape_cast %parallel_loop3A_452 : vector<1x16xf32> to vector<16xf32>
            %parallel_loop3A_454 = arith.constant 0 : i32
            %parallel_loop3A_455 = arith.constant 0 : i32
            %parallel_loop3A_456 = arith.constant 0 : i32
            %parallel_loop3A_457 = tpu.memref_slice %run_scoped3A_20[%rem3A_348, %parallel_loop3A_454, %parallel_loop3A_455, %parallel_loop3A_456] : memref<2x1x256x128xf32, #tpu.memory_space<vmem>> -> memref<1x1x256x128xf32, #tpu.memory_space<vmem>>
            %parallel_loop3A_458 = tpu.memref_squeeze %parallel_loop3A_457 : memref<1x1x256x128xf32, #tpu.memory_space<vmem>> -> memref<1x256x128xf32, #tpu.memory_space<vmem>>
            %parallel_loop3A_459 = arith.constant 0 : i32
            %parallel_loop3A_460 = arith.constant 0 : i32
            %parallel_loop3A_461 = tpu.memref_slice %parallel_loop3A_458[%parallel_loop3A_351, %parallel_loop3A_459, %parallel_loop3A_460] : memref<1x256x128xf32, #tpu.memory_space<vmem>> -> memref<1x256x128xf32, #tpu.memory_space<vmem>>
            %parallel_loop3A_462 = tpu.memref_squeeze %parallel_loop3A_461 : memref<1x256x128xf32, #tpu.memory_space<vmem>> -> memref<256x128xf32, #tpu.memory_space<vmem>>
            %parallel_loop3A_463 = arith.index_cast %parallel_loop3A_445 : i32 to index
            %parallel_loop3A_464 = arith.constant 0 : index
            %parallel_loop3A_465 = tpu.vector_load %parallel_loop3A_462[%parallel_loop3A_463, %parallel_loop3A_464] {strides = array<i32>} : memref<256x128xf32, #tpu.memory_space<vmem>>, vector<1x16xf32>,
            %parallel_loop3A_466 = vector.shape_cast %parallel_loop3A_465 : vector<1x16xf32> to vector<16xf32>
            %parallel_loop3A_467 = vector.shape_cast %parallel_loop3A_453 : vector<16xf32> to vector<1x16xf32>
            tpu.vector_store %parallel_loop3A_462[%parallel_loop3A_463, %parallel_loop3A_464], %parallel_loop3A_467 {strides = array<i32>} : memref<256x128xf32, #tpu.memory_space<vmem>>, vector<1x16xf32>,
            %parallel_loop3A_468 = arith.constant 4 : i32
            %parallel_loop3A_469 = arith.muli %parallel_loop3A_468, %parallel_loop3A_445 : i32
            %parallel_loop3A_470 = arith.constant 0 : i32
            %parallel_loop3A_471 = arith.addi %parallel_loop3A_469, %parallel_loop3A_470 : i32
            %parallel_loop3A_472 = arith.index_cast %parallel_loop3A_471 : i32 to index
            %parallel_loop3A_473 = arith.constant 16 : index
            %parallel_loop3A_474 = tpu.vector_load %arg5[%parallel_loop3A_472, %parallel_loop3A_473] {strides = array<i32>} : memref<1024x32xf32, #tpu.memory_space<vmem>>, vector<1x16xf32>,
            %parallel_loop3A_475 = vector.shape_cast %parallel_loop3A_474 : vector<1x16xf32> to vector<16xf32>
            %parallel_loop3A_476 = arith.constant 0 : i32
            %parallel_loop3A_477 = arith.constant 0 : i32
            %parallel_loop3A_478 = arith.constant 0 : i32
            %parallel_loop3A_479 = tpu.memref_slice %run_scoped3A_20[%rem3A_348, %parallel_loop3A_476, %parallel_loop3A_477, %parallel_loop3A_478] : memref<2x1x256x128xf32, #tpu.memory_space<vmem>> -> memref<1x1x256x128xf32, #tpu.memory_space<vmem>>
            %parallel_loop3A_480 = tpu.memref_squeeze %parallel_loop3A_479 : memref<1x1x256x128xf32, #tpu.memory_space<vmem>> -> memref<1x256x128xf32, #tpu.memory_space<vmem>>
            %parallel_loop3A_481 = arith.constant 0 : i32
            %parallel_loop3A_482 = arith.constant 0 : i32
            %parallel_loop3A_483 = tpu.memref_slice %parallel_loop3A_480[%parallel_loop3A_351, %parallel_loop3A_481, %parallel_loop3A_482] : memref<1x256x128xf32, #tpu.memory_space<vmem>> -> memref<1x256x128xf32, #tpu.memory_space<vmem>>
            %parallel_loop3A_484 = tpu.memref_squeeze %parallel_loop3A_483 : memref<1x256x128xf32, #tpu.memory_space<vmem>> -> memref<256x128xf32, #tpu.memory_space<vmem>>
            %parallel_loop3A_485 = arith.index_cast %parallel_loop3A_445 : i32 to index
            %parallel_loop3A_486 = arith.constant 16 : index
            %parallel_loop3A_487 = tpu.vector_load %parallel_loop3A_484[%parallel_loop3A_485, %parallel_loop3A_486] {strides = array<i32>} : memref<256x128xf32, #tpu.memory_space<vmem>>, vector<1x16xf32>,
            %parallel_loop3A_488 = vector.shape_cast %parallel_loop3A_487 : vector<1x16xf32> to vector<16xf32>
            %parallel_loop3A_489 = vector.shape_cast %parallel_loop3A_475 : vector<16xf32> to vector<1x16xf32>
            tpu.vector_store %parallel_loop3A_484[%parallel_loop3A_485, %parallel_loop3A_486], %parallel_loop3A_489 {strides = array<i32>} : memref<256x128xf32, #tpu.memory_space<vmem>>, vector<1x16xf32>,
            %parallel_loop3A_490 = arith.constant 4 : i32
            %parallel_loop3A_491 = arith.muli %parallel_loop3A_490, %parallel_loop3A_445 : i32
            %parallel_loop3A_492 = arith.constant 1 : i32
            %parallel_loop3A_493 = arith.addi %parallel_loop3A_491, %parallel_loop3A_492 : i32
            %parallel_loop3A_494 = arith.index_cast %parallel_loop3A_493 : i32 to index
            %parallel_loop3A_495 = arith.constant 0 : index
            %parallel_loop3A_496 = tpu.vector_load %arg5[%parallel_loop3A_494, %parallel_loop3A_495] {strides = array<i32>} : memref<1024x32xf32, #tpu.memory_space<vmem>>, vector<1x16xf32>,
            %parallel_loop3A_497 = vector.shape_cast %parallel_loop3A_496 : vector<1x16xf32> to vector<16xf32>
            %parallel_loop3A_498 = arith.constant 0 : i32
            %parallel_loop3A_499 = arith.constant 0 : i32
            %parallel_loop3A_500 = arith.constant 0 : i32
            %parallel_loop3A_501 = tpu.memref_slice %run_scoped3A_20[%rem3A_348, %parallel_loop3A_498, %parallel_loop3A_499, %parallel_loop3A_500] : memref<2x1x256x128xf32, #tpu.memory_space<vmem>> -> memref<1x1x256x128xf32, #tpu.memory_space<vmem>>
            %parallel_loop3A_502 = tpu.memref_squeeze %parallel_loop3A_501 : memref<1x1x256x128xf32, #tpu.memory_space<vmem>> -> memref<1x256x128xf32, #tpu.memory_space<vmem>>
            %parallel_loop3A_503 = arith.constant 0 : i32
            %parallel_loop3A_504 = arith.constant 0 : i32
            %parallel_loop3A_505 = tpu.memref_slice %parallel_loop3A_502[%parallel_loop3A_351, %parallel_loop3A_503, %parallel_loop3A_504] : memref<1x256x128xf32, #tpu.memory_space<vmem>> -> memref<1x256x128xf32, #tpu.memory_space<vmem>>
            %parallel_loop3A_506 = tpu.memref_squeeze %parallel_loop3A_505 : memref<1x256x128xf32, #tpu.memory_space<vmem>> -> memref<256x128xf32, #tpu.memory_space<vmem>>
            %parallel_loop3A_507 = arith.index_cast %parallel_loop3A_445 : i32 to index
            %parallel_loop3A_508 = arith.constant 32 : index
            %parallel_loop3A_509 = tpu.vector_load %parallel_loop3A_506[%parallel_loop3A_507, %parallel_loop3A_508] {strides = array<i32>} : memref<256x128xf32, #tpu.memory_space<vmem>>, vector<1x16xf32>,
            %parallel_loop3A_510 = vector.shape_cast %parallel_loop3A_509 : vector<1x16xf32> to vector<16xf32>
            %parallel_loop3A_511 = vector.shape_cast %parallel_loop3A_497 : vector<16xf32> to vector<1x16xf32>
            tpu.vector_store %parallel_loop3A_506[%parallel_loop3A_507, %parallel_loop3A_508], %parallel_loop3A_511 {strides = array<i32>} : memref<256x128xf32, #tpu.memory_space<vmem>>, vector<1x16xf32>,
            %parallel_loop3A_512 = arith.constant 4 : i32
            %parallel_loop3A_513 = arith.muli %parallel_loop3A_512, %parallel_loop3A_445 : i32
            %parallel_loop3A_514 = arith.constant 1 : i32
            %parallel_loop3A_515 = arith.addi %parallel_loop3A_513, %parallel_loop3A_514 : i32
            %parallel_loop3A_516 = arith.index_cast %parallel_loop3A_515 : i32 to index
            %parallel_loop3A_517 = arith.constant 16 : index
            %parallel_loop3A_518 = tpu.vector_load %arg5[%parallel_loop3A_516, %parallel_loop3A_517] {strides = array<i32>} : memref<1024x32xf32, #tpu.memory_space<vmem>>, vector<1x16xf32>,
            %parallel_loop3A_519 = vector.shape_cast %parallel_loop3A_518 : vector<1x16xf32> to vector<16xf32>
            %parallel_loop3A_520 = arith.constant 0 : i32
            %parallel_loop3A_521 = arith.constant 0 : i32
            %parallel_loop3A_522 = arith.constant 0 : i32
            %parallel_loop3A_523 = tpu.memref_slice %run_scoped3A_20[%rem3A_348, %parallel_loop3A_520, %parallel_loop3A_521, %parallel_loop3A_522] : memref<2x1x256x128xf32, #tpu.memory_space<vmem>> -> memref<1x1x256x128xf32, #tpu.memory_space<vmem>>
            %parallel_loop3A_524 = tpu.memref_squeeze %parallel_loop3A_523 : memref<1x1x256x128xf32, #tpu.memory_space<vmem>> -> memref<1x256x128xf32, #tpu.memory_space<vmem>>
            %parallel_loop3A_525 = arith.constant 0 : i32
            %parallel_loop3A_526 = arith.constant 0 : i32
            %parallel_loop3A_527 = tpu.memref_slice %parallel_loop3A_524[%parallel_loop3A_351, %parallel_loop3A_525, %parallel_loop3A_526] : memref<1x256x128xf32, #tpu.memory_space<vmem>> -> memref<1x256x128xf32, #tpu.memory_space<vmem>>
            %parallel_loop3A_528 = tpu.memref_squeeze %parallel_loop3A_527 : memref<1x256x128xf32, #tpu.memory_space<vmem>> -> memref<256x128xf32, #tpu.memory_space<vmem>>
            %parallel_loop3A_529 = arith.index_cast %parallel_loop3A_445 : i32 to index
            %parallel_loop3A_530 = arith.constant 48 : index
            %parallel_loop3A_531 = tpu.vector_load %parallel_loop3A_528[%parallel_loop3A_529, %parallel_loop3A_530] {strides = array<i32>} : memref<256x128xf32, #tpu.memory_space<vmem>>, vector<1x16xf32>,
            %parallel_loop3A_532 = vector.shape_cast %parallel_loop3A_531 : vector<1x16xf32> to vector<16xf32>
            %parallel_loop3A_533 = vector.shape_cast %parallel_loop3A_519 : vector<16xf32> to vector<1x16xf32>
            tpu.vector_store %parallel_loop3A_528[%parallel_loop3A_529, %parallel_loop3A_530], %parallel_loop3A_533 {strides = array<i32>} : memref<256x128xf32, #tpu.memory_space<vmem>>, vector<1x16xf32>,
            %parallel_loop3A_534 = arith.constant 4 : i32
            %parallel_loop3A_535 = arith.muli %parallel_loop3A_534, %parallel_loop3A_445 : i32
            %parallel_loop3A_536 = arith.constant 2 : i32
            %parallel_loop3A_537 = arith.addi %parallel_loop3A_535, %parallel_loop3A_536 : i32
            %parallel_loop3A_538 = arith.index_cast %parallel_loop3A_537 : i32 to index
            %parallel_loop3A_539 = arith.constant 0 : index
            %parallel_loop3A_540 = tpu.vector_load %arg5[%parallel_loop3A_538, %parallel_loop3A_539] {strides = array<i32>} : memref<1024x32xf32, #tpu.memory_space<vmem>>, vector<1x16xf32>,
            %parallel_loop3A_541 = vector.shape_cast %parallel_loop3A_540 : vector<1x16xf32> to vector<16xf32>
            %parallel_loop3A_542 = arith.constant 0 : i32
            %parallel_loop3A_543 = arith.constant 0 : i32
            %parallel_loop3A_544 = arith.constant 0 : i32
            %parallel_loop3A_545 = tpu.memref_slice %run_scoped3A_20[%rem3A_348, %parallel_loop3A_542, %parallel_loop3A_543, %parallel_loop3A_544] : memref<2x1x256x128xf32, #tpu.memory_space<vmem>> -> memref<1x1x256x128xf32, #tpu.memory_space<vmem>>
            %parallel_loop3A_546 = tpu.memref_squeeze %parallel_loop3A_545 : memref<1x1x256x128xf32, #tpu.memory_space<vmem>> -> memref<1x256x128xf32, #tpu.memory_space<vmem>>
            %parallel_loop3A_547 = arith.constant 0 : i32
            %parallel_loop3A_548 = arith.constant 0 : i32
            %parallel_loop3A_549 = tpu.memref_slice %parallel_loop3A_546[%parallel_loop3A_351, %parallel_loop3A_547, %parallel_loop3A_548] : memref<1x256x128xf32, #tpu.memory_space<vmem>> -> memref<1x256x128xf32, #tpu.memory_space<vmem>>
            %parallel_loop3A_550 = tpu.memref_squeeze %parallel_loop3A_549 : memref<1x256x128xf32, #tpu.memory_space<vmem>> -> memref<256x128xf32, #tpu.memory_space<vmem>>
            %parallel_loop3A_551 = arith.index_cast %parallel_loop3A_445 : i32 to index
            %parallel_loop3A_552 = arith.constant 64 : index
            %parallel_loop3A_553 = tpu.vector_load %parallel_loop3A_550[%parallel_loop3A_551, %parallel_loop3A_552] {strides = array<i32>} : memref<256x128xf32, #tpu.memory_space<vmem>>, vector<1x16xf32>,
            %parallel_loop3A_554 = vector.shape_cast %parallel_loop3A_553 : vector<1x16xf32> to vector<16xf32>
            %parallel_loop3A_555 = vector.shape_cast %parallel_loop3A_541 : vector<16xf32> to vector<1x16xf32>
            tpu.vector_store %parallel_loop3A_550[%parallel_loop3A_551, %parallel_loop3A_552], %parallel_loop3A_555 {strides = array<i32>} : memref<256x128xf32, #tpu.memory_space<vmem>>, vector<1x16xf32>,
            %parallel_loop3A_556 = arith.constant 4 : i32
            %parallel_loop3A_557 = arith.muli %parallel_loop3A_556, %parallel_loop3A_445 : i32
            %parallel_loop3A_558 = arith.constant 2 : i32
            %parallel_loop3A_559 = arith.addi %parallel_loop3A_557, %parallel_loop3A_558 : i32
            %parallel_loop3A_560 = arith.index_cast %parallel_loop3A_559 : i32 to index
            %parallel_loop3A_561 = arith.constant 16 : index
            %parallel_loop3A_562 = tpu.vector_load %arg5[%parallel_loop3A_560, %parallel_loop3A_561] {strides = array<i32>} : memref<1024x32xf32, #tpu.memory_space<vmem>>, vector<1x16xf32>,
            %parallel_loop3A_563 = vector.shape_cast %parallel_loop3A_562 : vector<1x16xf32> to vector<16xf32>
            %parallel_loop3A_564 = arith.constant 0 : i32
            %parallel_loop3A_565 = arith.constant 0 : i32
            %parallel_loop3A_566 = arith.constant 0 : i32
            %parallel_loop3A_567 = tpu.memref_slice %run_scoped3A_20[%rem3A_348, %parallel_loop3A_564, %parallel_loop3A_565, %parallel_loop3A_566] : memref<2x1x256x128xf32, #tpu.memory_space<vmem>> -> memref<1x1x256x128xf32, #tpu.memory_space<vmem>>
            %parallel_loop3A_568 = tpu.memref_squeeze %parallel_loop3A_567 : memref<1x1x256x128xf32, #tpu.memory_space<vmem>> -> memref<1x256x128xf32, #tpu.memory_space<vmem>>
            %parallel_loop3A_569 = arith.constant 0 : i32
            %parallel_loop3A_570 = arith.constant 0 : i32
            %parallel_loop3A_571 = tpu.memref_slice %parallel_loop3A_568[%parallel_loop3A_351, %parallel_loop3A_569, %parallel_loop3A_570] : memref<1x256x128xf32, #tpu.memory_space<vmem>> -> memref<1x256x128xf32, #tpu.memory_space<vmem>>
            %parallel_loop3A_572 = tpu.memref_squeeze %parallel_loop3A_571 : memref<1x256x128xf32, #tpu.memory_space<vmem>> -> memref<256x128xf32, #tpu.memory_space<vmem>>
            %parallel_loop3A_573 = arith.index_cast %parallel_loop3A_445 : i32 to index
            %parallel_loop3A_574 = arith.constant 80 : index
            %parallel_loop3A_575 = tpu.vector_load %parallel_loop3A_572[%parallel_loop3A_573, %parallel_loop3A_574] {strides = array<i32>} : memref<256x128xf32, #tpu.memory_space<vmem>>, vector<1x16xf32>,
            %parallel_loop3A_576 = vector.shape_cast %parallel_loop3A_575 : vector<1x16xf32> to vector<16xf32>
            %parallel_loop3A_577 = vector.shape_cast %parallel_loop3A_563 : vector<16xf32> to vector<1x16xf32>
            tpu.vector_store %parallel_loop3A_572[%parallel_loop3A_573, %parallel_loop3A_574], %parallel_loop3A_577 {strides = array<i32>} : memref<256x128xf32, #tpu.memory_space<vmem>>, vector<1x16xf32>,
            %parallel_loop3A_578 = arith.constant 4 : i32
            %parallel_loop3A_579 = arith.muli %parallel_loop3A_578, %parallel_loop3A_445 : i32
            %parallel_loop3A_580 = arith.constant 3 : i32
            %parallel_loop3A_581 = arith.addi %parallel_loop3A_579, %parallel_loop3A_580 : i32
            %parallel_loop3A_582 = arith.index_cast %parallel_loop3A_581 : i32 to index
            %parallel_loop3A_583 = arith.constant 0 : index
            %parallel_loop3A_584 = tpu.vector_load %arg5[%parallel_loop3A_582, %parallel_loop3A_583] {strides = array<i32>} : memref<1024x32xf32, #tpu.memory_space<vmem>>, vector<1x16xf32>,
            %parallel_loop3A_585 = vector.shape_cast %parallel_loop3A_584 : vector<1x16xf32> to vector<16xf32>
            %parallel_loop3A_586 = arith.constant 0 : i32
            %parallel_loop3A_587 = arith.constant 0 : i32
            %parallel_loop3A_588 = arith.constant 0 : i32
            %parallel_loop3A_589 = tpu.memref_slice %run_scoped3A_20[%rem3A_348, %parallel_loop3A_586, %parallel_loop3A_587, %parallel_loop3A_588] : memref<2x1x256x128xf32, #tpu.memory_space<vmem>> -> memref<1x1x256x128xf32, #tpu.memory_space<vmem>>
            %parallel_loop3A_590 = tpu.memref_squeeze %parallel_loop3A_589 : memref<1x1x256x128xf32, #tpu.memory_space<vmem>> -> memref<1x256x128xf32, #tpu.memory_space<vmem>>
            %parallel_loop3A_591 = arith.constant 0 : i32
            %parallel_loop3A_592 = arith.constant 0 : i32
            %parallel_loop3A_593 = tpu.memref_slice %parallel_loop3A_590[%parallel_loop3A_351, %parallel_loop3A_591, %parallel_loop3A_592] : memref<1x256x128xf32, #tpu.memory_space<vmem>> -> memref<1x256x128xf32, #tpu.memory_space<vmem>>
            %parallel_loop3A_594 = tpu.memref_squeeze %parallel_loop3A_593 : memref<1x256x128xf32, #tpu.memory_space<vmem>> -> memref<256x128xf32, #tpu.memory_space<vmem>>
            %parallel_loop3A_595 = arith.index_cast %parallel_loop3A_445 : i32 to index
            %parallel_loop3A_596 = arith.constant 96 : index
            %parallel_loop3A_597 = tpu.vector_load %parallel_loop3A_594[%parallel_loop3A_595, %parallel_loop3A_596] {strides = array<i32>} : memref<256x128xf32, #tpu.memory_space<vmem>>, vector<1x16xf32>,
            %parallel_loop3A_598 = vector.shape_cast %parallel_loop3A_597 : vector<1x16xf32> to vector<16xf32>
            %parallel_loop3A_599 = vector.shape_cast %parallel_loop3A_585 : vector<16xf32> to vector<1x16xf32>
            tpu.vector_store %parallel_loop3A_594[%parallel_loop3A_595, %parallel_loop3A_596], %parallel_loop3A_599 {strides = array<i32>} : memref<256x128xf32, #tpu.memory_space<vmem>>, vector<1x16xf32>,
            %parallel_loop3A_600 = arith.constant 4 : i32
            %parallel_loop3A_601 = arith.muli %parallel_loop3A_600, %parallel_loop3A_445 : i32
            %parallel_loop3A_602 = arith.constant 3 : i32
            %parallel_loop3A_603 = arith.addi %parallel_loop3A_601, %parallel_loop3A_602 : i32
            %parallel_loop3A_604 = arith.index_cast %parallel_loop3A_603 : i32 to index
            %parallel_loop3A_605 = arith.constant 16 : index
            %parallel_loop3A_606 = tpu.vector_load %arg5[%parallel_loop3A_604, %parallel_loop3A_605] {strides = array<i32>} : memref<1024x32xf32, #tpu.memory_space<vmem>>, vector<1x16xf32>,
            %parallel_loop3A_607 = vector.shape_cast %parallel_loop3A_606 : vector<1x16xf32> to vector<16xf32>
            %parallel_loop3A_608 = arith.constant 0 : i32
            %parallel_loop3A_609 = arith.constant 0 : i32
            %parallel_loop3A_610 = arith.constant 0 : i32
            %parallel_loop3A_611 = tpu.memref_slice %run_scoped3A_20[%rem3A_348, %parallel_loop3A_608, %parallel_loop3A_609, %parallel_loop3A_610] : memref<2x1x256x128xf32, #tpu.memory_space<vmem>> -> memref<1x1x256x128xf32, #tpu.memory_space<vmem>>
            %parallel_loop3A_612 = tpu.memref_squeeze %parallel_loop3A_611 : memref<1x1x256x128xf32, #tpu.memory_space<vmem>> -> memref<1x256x128xf32, #tpu.memory_space<vmem>>
            %parallel_loop3A_613 = arith.constant 0 : i32
            %parallel_loop3A_614 = arith.constant 0 : i32
            %parallel_loop3A_615 = tpu.memref_slice %parallel_loop3A_612[%parallel_loop3A_351, %parallel_loop3A_613, %parallel_loop3A_614] : memref<1x256x128xf32, #tpu.memory_space<vmem>> -> memref<1x256x128xf32, #tpu.memory_space<vmem>>
            %parallel_loop3A_616 = tpu.memref_squeeze %parallel_loop3A_615 : memref<1x256x128xf32, #tpu.memory_space<vmem>> -> memref<256x128xf32, #tpu.memory_space<vmem>>
            %parallel_loop3A_617 = arith.index_cast %parallel_loop3A_445 : i32 to index
            %parallel_loop3A_618 = arith.constant 112 : index
            %parallel_loop3A_619 = tpu.vector_load %parallel_loop3A_616[%parallel_loop3A_617, %parallel_loop3A_618] {strides = array<i32>} : memref<256x128xf32, #tpu.memory_space<vmem>>, vector<1x16xf32>,
            %parallel_loop3A_620 = vector.shape_cast %parallel_loop3A_619 : vector<1x16xf32> to vector<16xf32>
            %parallel_loop3A_621 = vector.shape_cast %parallel_loop3A_607 : vector<16xf32> to vector<1x16xf32>
            tpu.vector_store %parallel_loop3A_616[%parallel_loop3A_617, %parallel_loop3A_618], %parallel_loop3A_621 {strides = array<i32>} : memref<256x128xf32, #tpu.memory_space<vmem>>, vector<1x16xf32>,
          } {sc.loop_unroll_factor = 8 : i64, sc.parallel_access}
          "tpu.trace_stop"() : () -> ()
          %mul3A_352 = arith.constant 4 : i32
          %mul3A_353 = arith.muli %add3A_228, %mul3A_352 : i32
          %add3A_354 = arith.addi %mul3A_353, %add3A_230 : i32
          %mul3A_355 = arith.constant 4 : i32
          %mul3A_356 = arith.muli %add3A_264, %mul3A_355 : i32
          %add3A_357 = arith.addi %mul3A_356, %add3A_266 : i32
          %ne3A_358 = arith.cmpi ne, %add3A_354, %add3A_357 : i32
          %or3A_359 = arith.constant false
          %or3A_360 = arith.ori %or3A_359, %ne3A_358 : i1
          %or3A_361 = arith.ori %or3A_360, %eq3A_227 : i1
          %convert_element_type3A_362 = arith.extui %or3A_361 : i1 to i32
          %cond3A_363 = arith.constant 0 : i32
          %cond3A_364 = arith.cmpi ne, %convert_element_type3A_362, %cond3A_363 : i32
          scf.if %cond3A_364 {
          } else {
          }
          %and3A_365 = arith.constant false
          %and3A_366 = arith.andi %or3A_361, %and3A_365 : i1
          %ne3A_367 = arith.cmpi ne, %add3A_228, %add3A_264 : i32
          %ne3A_368 = arith.cmpi ne, %add3A_230, %add3A_266 : i32
          %or3A_369 = arith.constant false
          %or3A_370 = arith.ori %or3A_369, %ne3A_367 : i1
          %or3A_371 = arith.ori %or3A_370, %ne3A_368 : i1
          %or3A_372 = arith.constant false
          %or3A_373 = arith.ori %or3A_371, %or3A_372 : i1
          %or3A_374 = arith.ori %or3A_373, %eq3A_227 : i1
          %convert_element_type3A_375 = arith.extui %or3A_374 : i1 to i32
          %cond3A_376 = arith.constant 0 : i32
          %cond3A_377 = arith.cmpi ne, %convert_element_type3A_375, %cond3A_376 : i32
          scf.if %cond3A_377 {
            "tpu.trace_start"() <{level = 10 : i32, message = "ep_copy_out"}> : () -> ()
            %rem3A_445 = arith.constant 2 : i32
            %rem3A_446 = arith.remui %while3A_215, %rem3A_445 : i32
            %mul3A_447 = arith.constant 1 : i32
            %mul3A_448 = arith.muli %mul3A_447, %add3A_228 : i32
            %mul3A_449 = arith.constant 256 : i32
            %mul3A_450 = arith.muli %mul3A_449, %add3A_230 : i32
            %dma_start3A_451 = arith.constant 0 : i32
            %dma_start3A_452 = arith.constant 0 : i32
            %dma_start3A_453 = arith.constant 0 : i32
            %dma_start3A_454 = tpu.memref_slice %run_scoped3A_20[%rem3A_446, %dma_start3A_451, %dma_start3A_452, %dma_start3A_453] : memref<2x1x256x128xf32, #tpu.memory_space<vmem>> -> memref<1x1x256x128xf32, #tpu.memory_space<vmem>>
            %dma_start3A_455 = tpu.memref_squeeze %dma_start3A_454 : memref<1x1x256x128xf32, #tpu.memory_space<vmem>> -> memref<1x256x128xf32, #tpu.memory_space<vmem>>
            %dma_start3A_456 = arith.constant 0 : i32
            %dma_start3A_457 = tpu.memref_slice %arg4[%mul3A_448, %mul3A_450, %dma_start3A_456] : memref<200x1024x128xf32, #tpu.memory_space<hbm>> -> memref<1x256x128xf32, #tpu.memory_space<hbm>>
            %dma_start3A_458 = tpu.memref_slice %run_scoped3A_21[%rem3A_446] : memref<2x!tpu.dma_semaphore, #tpu.memory_space<semaphore_mem>> -> memref<1x!tpu.dma_semaphore, #tpu.memory_space<semaphore_mem>>
            %dma_start3A_459 = tpu.memref_squeeze %dma_start3A_458 : memref<1x!tpu.dma_semaphore, #tpu.memory_space<semaphore_mem>> -> memref<!tpu.dma_semaphore, #tpu.memory_space<semaphore_mem>>
            %dma_start3A_460 = arith.constant 0 : i32
            %dma_start3A_461 = tpu.memref_slice %arg4[%mul3A_448, %mul3A_450, %dma_start3A_460] : memref<200x1024x128xf32, #tpu.memory_space<hbm>> -> memref<1x256x128xf32, #tpu.memory_space<hbm>>
            %dma_start3A_462 = arith.constant 0 : i32
            %dma_start3A_463 = arith.constant 0 : i32
            %dma_start3A_464 = arith.constant 0 : i32
            %dma_start3A_465 = tpu.memref_slice %run_scoped3A_20[%rem3A_446, %dma_start3A_462, %dma_start3A_463, %dma_start3A_464] : memref<2x1x256x128xf32, #tpu.memory_space<vmem>> -> memref<1x1x256x128xf32, #tpu.memory_space<vmem>>
            %dma_start3A_466 = tpu.memref_squeeze %dma_start3A_465 : memref<1x1x256x128xf32, #tpu.memory_space<vmem>> -> memref<1x256x128xf32, #tpu.memory_space<vmem>>
            tpu.enqueue_dma source(%dma_start3A_466 : memref<1x256x128xf32, #tpu.memory_space<vmem>>) target(%dma_start3A_461 : memref<1x256x128xf32, #tpu.memory_space<hbm>>) target_semaphore(%dma_start3A_459 : memref<!tpu.dma_semaphore, #tpu.memory_space<semaphore_mem>>)
            "tpu.trace_stop"() : () -> ()
          } else {
          }
          %and3A_378 = arith.constant true
          %and3A_379 = arith.andi %or3A_374, %and3A_378 : i1
          %add3A_380 = arith.constant 1 : i32
          %add3A_381 = arith.addi %while3A_215, %add3A_380 : i32
          %select_n3A_382 = arith.select %and3A_379, %add3A_381, %while3A_215 : i32
          %mul3A_383 = arith.constant 4 : i32
          %mul3A_384 = arith.muli %add3A_228, %mul3A_383 : i32
          %add3A_385 = arith.addi %mul3A_384, %add3A_230 : i32
          %mul3A_386 = arith.constant 4 : i32
          %mul3A_387 = arith.muli %add3A_247, %mul3A_386 : i32
          %add3A_388 = arith.addi %mul3A_387, %add3A_249 : i32
          %ne3A_389 = arith.cmpi ne, %add3A_385, %add3A_388 : i32
          %or3A_390 = arith.constant false
          %or3A_391 = arith.ori %or3A_390, %ne3A_389 : i1
          %not3A_392 = arith.constant true
          %not3A_393 = arith.xori %eq3A_224, %not3A_392 : i1
          %and3A_394 = arith.andi %or3A_391, %not3A_393 : i1
          %convert_element_type3A_395 = arith.extui %and3A_394 : i1 to i32
          %cond3A_396 = arith.constant 0 : i32
          %cond3A_397 = arith.cmpi ne, %convert_element_type3A_395, %cond3A_396 : i32
          scf.if %cond3A_397 {
          } else {
          }
          %and3A_398 = arith.constant false
          %and3A_399 = arith.andi %and3A_394, %and3A_398 : i1
          %ne3A_400 = arith.cmpi ne, %add3A_228, %add3A_247 : i32
          %ne3A_401 = arith.cmpi ne, %add3A_230, %add3A_249 : i32
          %or3A_402 = arith.constant false
          %or3A_403 = arith.ori %or3A_402, %ne3A_400 : i1
          %or3A_404 = arith.ori %or3A_403, %ne3A_401 : i1
          %or3A_405 = arith.constant false
          %or3A_406 = arith.ori %or3A_404, %or3A_405 : i1
          %not3A_407 = arith.constant true
          %not3A_408 = arith.xori %eq3A_224, %not3A_407 : i1
          %and3A_409 = arith.andi %or3A_406, %not3A_408 : i1
          %convert_element_type3A_410 = arith.extui %and3A_409 : i1 to i32
          %cond3A_411 = arith.constant 0 : i32
          %cond3A_412 = arith.cmpi ne, %convert_element_type3A_410, %cond3A_411 : i32
          scf.if %cond3A_412 {
            "tpu.trace_start"() <{level = 10 : i32, message = "ep_wait_out"}> : () -> ()
            %rem3A_445 = arith.constant 2 : i32
            %rem3A_446 = arith.remui %while3A_216, %rem3A_445 : i32
            %mul3A_447 = arith.constant 1 : i32
            %mul3A_448 = arith.muli %mul3A_447, %add3A_247 : i32
            %mul3A_449 = arith.constant 256 : i32
            %mul3A_450 = arith.muli %mul3A_449, %add3A_249 : i32
            %dma_wait3A = arith.constant 0 : i32
            %dma_wait3A_451 = arith.constant 0 : i32
            %dma_wait3A_452 = arith.constant 0 : i32
            %dma_wait3A_453 = tpu.memref_slice %run_scoped3A_20[%rem3A_446, %dma_wait3A, %dma_wait3A_451, %dma_wait3A_452] : memref<2x1x256x128xf32, #tpu.memory_space<vmem>> -> memref<1x1x256x128xf32, #tpu.memory_space<vmem>>
            %dma_wait3A_454 = tpu.memref_squeeze %dma_wait3A_453 : memref<1x1x256x128xf32, #tpu.memory_space<vmem>> -> memref<1x256x128xf32, #tpu.memory_space<vmem>>
            %dma_wait3A_455 = arith.constant 0 : i32
            %dma_wait3A_456 = tpu.memref_slice %arg4[%mul3A_448, %mul3A_450, %dma_wait3A_455] : memref<200x1024x128xf32, #tpu.memory_space<hbm>> -> memref<1x256x128xf32, #tpu.memory_space<hbm>>
            %dma_wait3A_457 = tpu.memref_slice %run_scoped3A_21[%rem3A_446] : memref<2x!tpu.dma_semaphore, #tpu.memory_space<semaphore_mem>> -> memref<1x!tpu.dma_semaphore, #tpu.memory_space<semaphore_mem>>
            %dma_wait3A_458 = tpu.memref_squeeze %dma_wait3A_457 : memref<1x!tpu.dma_semaphore, #tpu.memory_space<semaphore_mem>> -> memref<!tpu.dma_semaphore, #tpu.memory_space<semaphore_mem>>
            %dma_wait3A_459 = arith.constant 0 : i32
            %dma_wait3A_460 = tpu.memref_slice %arg4[%mul3A_448, %mul3A_450, %dma_wait3A_459] : memref<200x1024x128xf32, #tpu.memory_space<hbm>> -> memref<1x256x128xf32, #tpu.memory_space<hbm>>
            %dma_wait3A_461 = arith.constant 0 : i32
            %dma_wait3A_462 = arith.constant 0 : i32
            %dma_wait3A_463 = arith.constant 0 : i32
            %dma_wait3A_464 = tpu.memref_slice %run_scoped3A_20[%rem3A_446, %dma_wait3A_461, %dma_wait3A_462, %dma_wait3A_463] : memref<2x1x256x128xf32, #tpu.memory_space<vmem>> -> memref<1x1x256x128xf32, #tpu.memory_space<vmem>>
            %dma_wait3A_465 = tpu.memref_squeeze %dma_wait3A_464 : memref<1x1x256x128xf32, #tpu.memory_space<vmem>> -> memref<1x256x128xf32, #tpu.memory_space<vmem>>
            tpu.wait_dma2 semaphore(%dma_wait3A_458 : memref<!tpu.dma_semaphore, #tpu.memory_space<semaphore_mem>>) src(%dma_wait3A_465 : memref<1x256x128xf32, #tpu.memory_space<vmem>>) dst(%dma_wait3A_460 : memref<1x256x128xf32, #tpu.memory_space<hbm>>)
            "tpu.trace_stop"() : () -> ()
          } else {
          }
          %and3A_413 = arith.constant true
          %and3A_414 = arith.andi %and3A_409, %and3A_413 : i1
          %add3A_415 = arith.constant 1 : i32
          %add3A_416 = arith.addi %while3A_216, %add3A_415 : i32
          %select_n3A_417 = arith.select %and3A_414, %add3A_416, %while3A_216 : i32
          %mul3A_418 = arith.constant 4 : i32
          %mul3A_419 = arith.muli %add3A_228, %mul3A_418 : i32
          %add3A_420 = arith.addi %mul3A_419, %add3A_230 : i32
          %mul3A_421 = arith.constant 4 : i32
          %mul3A_422 = arith.muli %add3A_264, %mul3A_421 : i32
          %add3A_423 = arith.addi %mul3A_422, %add3A_266 : i32
          %ne3A_424 = arith.cmpi ne, %add3A_420, %add3A_423 : i32
          %or3A_425 = arith.constant false
          %or3A_426 = arith.ori %or3A_425, %ne3A_424 : i1
          %or3A_427 = arith.ori %or3A_426, %eq3A_227 : i1
          %add3A_428 = arith.constant 1 : i32
          %add3A_429 = arith.addi %while3A_214, %add3A_428 : i32
          %select_n3A_430 = arith.select %or3A_427, %add3A_429, %while3A_214 : i32
          %add3A_431 = arith.constant 1 : i32
          %add3A_432 = arith.addi %while3A_218, %add3A_431 : i32
          %select_n3A_433 = arith.constant true
          %select_n3A_434 = arith.select %select_n3A_433, %add3A_432, %while3A_218 : i32
          %eq3A_435 = arith.constant 4 : i32
          %eq3A_436 = arith.cmpi eq, %select_n3A_434, %eq3A_435 : i32
          %select_n3A_437 = arith.constant 0 : i32
          %select_n3A_438 = arith.select %eq3A_436, %select_n3A_437, %select_n3A_434 : i32
          %add3A_439 = arith.constant 1 : i32
          %add3A_440 = arith.addi %while3A_217, %add3A_439 : i32
          %select_n3A_441 = arith.select %eq3A_436, %add3A_440, %while3A_217 : i32
          %eq3A_442 = arith.cmpi eq, %select_n3A_441, %select_n3A : i32
          %select_n3A_443 = arith.constant 0 : i32
          %select_n3A_444 = arith.select %eq3A_442, %select_n3A_443, %select_n3A_441 : i32
          scf.yield %select_n3A_303, %select_n3A_430, %select_n3A_382, %select_n3A_417, %select_n3A_444, %select_n3A_438 : i32, i32, i32, i32, i32, i32
        }
        %sub3A_123 = arith.constant 1 : i32
        %sub3A_124 = arith.subi %while3A_122#5, %sub3A_123 : i32
        %select_n3A_125 = arith.constant true
        %select_n3A_126 = arith.select %select_n3A_125, %sub3A_124, %while3A_122#5 : i32
        %eq3A_127 = arith.constant -1 : i32
        %eq3A_128 = arith.cmpi eq, %select_n3A_126, %eq3A_127 : i32
        %select_n3A_129 = arith.constant 3 : i32
        %select_n3A_130 = arith.select %eq3A_128, %select_n3A_129, %select_n3A_126 : i32
        %sub3A_131 = arith.constant 1 : i32
        %sub3A_132 = arith.subi %while3A_122#4, %sub3A_131 : i32
        %select_n3A_133 = arith.select %eq3A_128, %sub3A_132, %while3A_122#4 : i32
        %eq3A_134 = arith.constant -1 : i32
        %eq3A_135 = arith.cmpi eq, %select_n3A_133, %eq3A_134 : i32
        %sub3A_136 = arith.constant 1 : i32
        %sub3A_137 = arith.subi %select_n3A, %sub3A_136 : i32
        %select_n3A_138 = arith.select %eq3A_135, %sub3A_137, %select_n3A_133 : i32
        %sub3A_139 = arith.constant 1 : i32
        %sub3A_140 = arith.subi %mul3A_18, %sub3A_139 : i32
        %mul3A_141 = arith.constant 1 : i32
        %mul3A_142 = arith.muli %mul3A_141, %select_n3A : i32
        %mul3A_143 = arith.constant 4 : i32
        %mul3A_144 = arith.muli %mul3A_142, %mul3A_143 : i32
        %eq3A_145 = arith.constant 0 : i32
        %eq3A_146 = arith.cmpi eq, %sub3A_140, %eq3A_145 : i32
        %sub3A_147 = arith.constant 1 : i32
        %sub3A_148 = arith.subi %mul3A_144, %sub3A_147 : i32
        %eq3A_149 = arith.cmpi eq, %sub3A_140, %sub3A_148 : i32
        %add3A_150 = arith.addi %select_n3A_138, %select_n3A_14 : i32
        %add3A_151 = arith.constant 0 : i32
        %add3A_152 = arith.addi %select_n3A_130, %add3A_151 : i32
        %sub3A_153 = arith.constant 1 : i32
        %sub3A_154 = arith.subi %select_n3A_130, %sub3A_153 : i32
        %select_n3A_155 = arith.constant true
        %select_n3A_156 = arith.select %select_n3A_155, %sub3A_154, %select_n3A_130 : i32
        %eq3A_157 = arith.constant -1 : i32
        %eq3A_158 = arith.cmpi eq, %select_n3A_156, %eq3A_157 : i32
        %select_n3A_159 = arith.constant 3 : i32
        %select_n3A_160 = arith.select %eq3A_158, %select_n3A_159, %select_n3A_156 : i32
        %sub3A_161 = arith.constant 1 : i32
        %sub3A_162 = arith.subi %select_n3A_138, %sub3A_161 : i32
        %select_n3A_163 = arith.select %eq3A_158, %sub3A_162, %select_n3A_138 : i32
        %eq3A_164 = arith.constant -1 : i32
        %eq3A_165 = arith.cmpi eq, %select_n3A_163, %eq3A_164 : i32
        %sub3A_166 = arith.constant 1 : i32
        %sub3A_167 = arith.subi %select_n3A, %sub3A_166 : i32
        %select_n3A_168 = arith.select %eq3A_165, %sub3A_167, %select_n3A_163 : i32
        %add3A_169 = arith.addi %select_n3A_168, %select_n3A_14 : i32
        %add3A_170 = arith.constant 0 : i32
        %add3A_171 = arith.addi %select_n3A_160, %add3A_170 : i32
        %add3A_172 = arith.constant 1 : i32
        %add3A_173 = arith.addi %select_n3A_130, %add3A_172 : i32
        %select_n3A_174 = arith.constant true
        %select_n3A_175 = arith.select %select_n3A_174, %add3A_173, %select_n3A_130 : i32
        %eq3A_176 = arith.constant 4 : i32
        %eq3A_177 = arith.cmpi eq, %select_n3A_175, %eq3A_176 : i32
        %select_n3A_178 = arith.constant 0 : i32
        %select_n3A_179 = arith.select %eq3A_177, %select_n3A_178, %select_n3A_175 : i32
        %add3A_180 = arith.constant 1 : i32
        %add3A_181 = arith.addi %select_n3A_138, %add3A_180 : i32
        %select_n3A_182 = arith.select %eq3A_177, %add3A_181, %select_n3A_138 : i32
        %eq3A_183 = arith.cmpi eq, %select_n3A_182, %select_n3A : i32
        %select_n3A_184 = arith.constant 0 : i32
        %select_n3A_185 = arith.select %eq3A_183, %select_n3A_184, %select_n3A_182 : i32
        %add3A_186 = arith.addi %select_n3A_185, %select_n3A_14 : i32
        %add3A_187 = arith.constant 0 : i32
        %add3A_188 = arith.addi %select_n3A_179, %add3A_187 : i32
        %add3A_189 = arith.constant 1 : i32
        %add3A_190 = arith.addi %select_n3A_179, %add3A_189 : i32
        %select_n3A_191 = arith.constant true
        %select_n3A_192 = arith.select %select_n3A_191, %add3A_190, %select_n3A_179 : i32
        %eq3A_193 = arith.constant 4 : i32
        %eq3A_194 = arith.cmpi eq, %select_n3A_192, %eq3A_193 : i32
        %select_n3A_195 = arith.constant 0 : i32
        %select_n3A_196 = arith.select %eq3A_194, %select_n3A_195, %select_n3A_192 : i32
        %add3A_197 = arith.constant 1 : i32
        %add3A_198 = arith.addi %select_n3A_185, %add3A_197 : i32
        %select_n3A_199 = arith.select %eq3A_194, %add3A_198, %select_n3A_185 : i32
        %eq3A_200 = arith.cmpi eq, %select_n3A_199, %select_n3A : i32
        %select_n3A_201 = arith.constant 0 : i32
        %select_n3A_202 = arith.select %eq3A_200, %select_n3A_201, %select_n3A_199 : i32
        %add3A_203 = arith.addi %select_n3A_202, %select_n3A_14 : i32
        %add3A_204 = arith.constant 0 : i32
        %add3A_205 = arith.addi %select_n3A_196, %add3A_204 : i32
        %convert_element_type3A_206 = arith.extui %eq3A_149 : i1 to i32
        %cond3A_207 = arith.constant 0 : i32
        %cond3A_208 = arith.cmpi ne, %convert_element_type3A_206, %cond3A_207 : i32
        scf.if %cond3A_208 {
        } else {
        }
        %convert_element_type3A_209 = arith.extui %eq3A_149 : i1 to i32
        %cond3A_210 = arith.constant 0 : i32
        %cond3A_211 = arith.cmpi ne, %convert_element_type3A_209, %cond3A_210 : i32
        scf.if %cond3A_211 {
          "tpu.trace_start"() <{level = 10 : i32, message = "ep_finalize"}> : () -> ()
          %rem3A_212 = arith.constant 2 : i32
          %rem3A_213 = arith.remui %while3A_122#3, %rem3A_212 : i32
          %mul3A_214 = arith.constant 1 : i32
          %mul3A_215 = arith.muli %mul3A_214, %add3A_150 : i32
          %mul3A_216 = arith.constant 256 : i32
          %mul3A_217 = arith.muli %mul3A_216, %add3A_152 : i32
          %dma_wait3A = arith.constant 0 : i32
          %dma_wait3A_218 = arith.constant 0 : i32
          %dma_wait3A_219 = arith.constant 0 : i32
          %dma_wait3A_220 = tpu.memref_slice %run_scoped3A_20[%rem3A_213, %dma_wait3A, %dma_wait3A_218, %dma_wait3A_219] : memref<2x1x256x128xf32, #tpu.memory_space<vmem>> -> memref<1x1x256x128xf32, #tpu.memory_space<vmem>>
          %dma_wait3A_221 = tpu.memref_squeeze %dma_wait3A_220 : memref<1x1x256x128xf32, #tpu.memory_space<vmem>> -> memref<1x256x128xf32, #tpu.memory_space<vmem>>
          %dma_wait3A_222 = arith.constant 0 : i32
          %dma_wait3A_223 = tpu.memref_slice %arg4[%mul3A_215, %mul3A_217, %dma_wait3A_222] : memref<200x1024x128xf32, #tpu.memory_space<hbm>> -> memref<1x256x128xf32, #tpu.memory_space<hbm>>
          %dma_wait3A_224 = tpu.memref_slice %run_scoped3A_21[%rem3A_213] : memref<2x!tpu.dma_semaphore, #tpu.memory_space<semaphore_mem>> -> memref<1x!tpu.dma_semaphore, #tpu.memory_space<semaphore_mem>>
          %dma_wait3A_225 = tpu.memref_squeeze %dma_wait3A_224 : memref<1x!tpu.dma_semaphore, #tpu.memory_space<semaphore_mem>> -> memref<!tpu.dma_semaphore, #tpu.memory_space<semaphore_mem>>
          %dma_wait3A_226 = arith.constant 0 : i32
          %dma_wait3A_227 = tpu.memref_slice %arg4[%mul3A_215, %mul3A_217, %dma_wait3A_226] : memref<200x1024x128xf32, #tpu.memory_space<hbm>> -> memref<1x256x128xf32, #tpu.memory_space<hbm>>
          %dma_wait3A_228 = arith.constant 0 : i32
          %dma_wait3A_229 = arith.constant 0 : i32
          %dma_wait3A_230 = arith.constant 0 : i32
          %dma_wait3A_231 = tpu.memref_slice %run_scoped3A_20[%rem3A_213, %dma_wait3A_228, %dma_wait3A_229, %dma_wait3A_230] : memref<2x1x256x128xf32, #tpu.memory_space<vmem>> -> memref<1x1x256x128xf32, #tpu.memory_space<vmem>>
          %dma_wait3A_232 = tpu.memref_squeeze %dma_wait3A_231 : memref<1x1x256x128xf32, #tpu.memory_space<vmem>> -> memref<1x256x128xf32, #tpu.memory_space<vmem>>
          tpu.wait_dma2 semaphore(%dma_wait3A_225 : memref<!tpu.dma_semaphore, #tpu.memory_space<semaphore_mem>>) src(%dma_wait3A_232 : memref<1x256x128xf32, #tpu.memory_space<vmem>>) dst(%dma_wait3A_227 : memref<1x256x128xf32, #tpu.memory_space<hbm>>)
          "tpu.trace_stop"() : () -> ()
        } else {
        }
      } else {
      }
      tpu.yield
    }) : () -> ()
    return
  }
}

module attributes {stable_mosaic.version = 14 : i64} {
  func.func @body(%arg0: i32, %arg1: memref<8x4096xi32, #tpu.memory_space<vmem>>, %arg2: memref<32768xi32, #tpu.memory_space<vmem>>) attributes {dimension_semantics = [#tpu.dimension_semantics<arbitrary>], iteration_bounds = array<i64: 25>, scalar_prefetch = 0 : i64, scratch_operands = 0 : i64, tpu.core_type = #tpu.core_type<tc>, window_params = [{transform_indices = @transform_0, window_bounds = array<i64: 8, 4096>}, {transform_indices = @transform_1, window_bounds = array<i64: 32768>}]} {
    %get3A = arith.constant 0 : index
    %get3A_0 = arith.constant 0 : index
    %get3A_1 = vector.load %arg1[%get3A, %get3A_0] : memref<8x4096xi32, #tpu.memory_space<vmem>>, vector<8x4096xi32>
    %not3A = arith.constant 8191 : i32
    %not3A_2 = arith.constant -1 : i32
    %not3A_3 = arith.xori %not3A, %not3A_2 : i32
    %and3A = vector.broadcast %not3A_3 : i32 to vector<8x4096xi32>
    %and3A_4 = arith.andi %get3A_1, %and3A : vector<8x4096xi32>
    %and3A_5 = arith.constant 2047 : i32
    %and3A_6 = vector.broadcast %and3A_5 : i32 to vector<8x4096xi32>
    %and3A_7 = arith.andi %get3A_1, %and3A_6 : vector<8x4096xi32>
    %shift_left3A = arith.constant 2 : i32
    %shift_left3A_8 = vector.broadcast %shift_left3A : i32 to vector<8x4096xi32>
    %shift_left3A_9 = arith.shli %and3A_7, %shift_left3A_8 : vector<8x4096xi32>
    %add3A = arith.addi %and3A_4, %shift_left3A_9 : vector<8x4096xi32>
    %and3A_10 = arith.constant 8191 : i32
    %and3A_11 = vector.broadcast %and3A_10 : i32 to vector<8x4096xi32>
    %and3A_12 = arith.andi %get3A_1, %and3A_11 : vector<8x4096xi32>
    %shift_right_arithmetic3A = arith.constant 11 : i32
    %shift_right_arithmetic3A_13 = vector.broadcast %shift_right_arithmetic3A : i32 to vector<8x4096xi32>
    %shift_right_arithmetic3A_14 = arith.shrsi %and3A_12, %shift_right_arithmetic3A_13 : vector<8x4096xi32>
    %add3A_15 = arith.addi %add3A, %shift_right_arithmetic3A_14 : vector<8x4096xi32>
    %reshape3A = vector.shape_cast %add3A_15 : vector<8x4096xi32> to vector<32768xi32>
    %swap3A = arith.constant 0 : index
    %swap3A_16 = vector.load %arg2[%swap3A] : memref<32768xi32, #tpu.memory_space<vmem>>, vector<32768xi32>
    tpu.vector_store %arg2[%swap3A], %reshape3A {strides = array<i32>} : memref<32768xi32, #tpu.memory_space<vmem>>, vector<32768xi32>,
    return
  }
  func.func @transform_0(%arg0: i32) -> (i32, i32) {
    %c0_i32 = arith.constant 0 : i32
    %c0_i32_0 = arith.constant 0 : i32
    return %arg0, %c0_i32 : i32, i32
  }
  func.func @transform_1(%arg0: i32) -> i32 {
    %c0_i32 = arith.constant 0 : i32
    return %arg0 : i32
  }
}

module attributes {stable_mosaic.version = 14 : i64} {
  func.func @body(%arg0: i32, %arg1: memref<32x8192xf32, #tpu.memory_space<vmem>>, %arg2: memref<2048x128xf32, #tpu.memory_space<vmem>>) attributes {dimension_semantics = [#tpu.dimension_semantics<arbitrary>], iteration_bounds = array<i64: 123>, scalar_prefetch = 0 : i64, scratch_operands = 0 : i64, tpu.core_type = #tpu.core_type<tc>, window_params = [{transform_indices = @transform_0, window_bounds = array<i64: 32, 8192>}, {transform_indices = @transform_1, window_bounds = array<i64: 2048, 128>}]} {
    %get3A = arith.constant 0 : index
    %get3A_0 = arith.constant 0 : index
    %get3A_1 = vector.load %arg1[%get3A, %get3A_0] : memref<32x8192xf32, #tpu.memory_space<vmem>>, vector<32x8192xf32>
    %slice3A = vector.extract_strided_slice %get3A_1 {offsets = [0, 0], sizes = [32, 2048], strides = [1, 1]} : vector<32x8192xf32> to vector<32x2048xf32>
    %slice3A_2 = vector.extract_strided_slice %get3A_1 {offsets = [0, 2048], sizes = [32, 2048], strides = [1, 1]} : vector<32x8192xf32> to vector<32x2048xf32>
    %slice3A_3 = vector.extract_strided_slice %get3A_1 {offsets = [0, 4096], sizes = [32, 2048], strides = [1, 1]} : vector<32x8192xf32> to vector<32x2048xf32>
    %slice3A_4 = vector.extract_strided_slice %get3A_1 {offsets = [0, 6144], sizes = [32, 2048], strides = [1, 1]} : vector<32x8192xf32> to vector<32x2048xf32>
    %concatenate3A = tpu.concatenate %slice3A, %slice3A_2, %slice3A_3, %slice3A_4 in 0 : vector<32x2048xf32>, vector<32x2048xf32>, vector<32x2048xf32>, vector<32x2048xf32> -> vector<128x2048xf32>
    %transpose3A = tpu.transpose %concatenate3A, [1, 0] : vector<128x2048xf32> -> vector<2048x128xf32>
    %mul3A = arith.constant 5.65685415 : f32
    %mul3A_5 = vector.broadcast %mul3A : f32 to vector<2048x128xf32>
    %mul3A_6 = arith.mulf %transpose3A, %mul3A_5 : vector<2048x128xf32>
    %swap3A = arith.constant 0 : index
    %swap3A_7 = arith.constant 0 : index
    %swap3A_8 = vector.load %arg2[%swap3A, %swap3A_7] : memref<2048x128xf32, #tpu.memory_space<vmem>>, vector<2048x128xf32>
    tpu.vector_store %arg2[%swap3A, %swap3A_7], %mul3A_6 {strides = array<i32>} : memref<2048x128xf32, #tpu.memory_space<vmem>>, vector<2048x128xf32>,
    return
  }
  func.func @transform_0(%arg0: i32) -> (i32, i32) {
    %c0_i32 = arith.constant 0 : i32
    %c0_i32_0 = arith.constant 0 : i32
    return %c0_i32, %arg0 : i32, i32
  }
  func.func @transform_1(%arg0: i32) -> (i32, i32) {
    %c0_i32 = arith.constant 0 : i32
    %c0_i32_0 = arith.constant 0 : i32
    return %arg0, %c0_i32 : i32, i32
  }
}

</mosaic_0001>

<sc_bundles>
// kernel: kernel.5.cloned.1.call-start
scs
__scs_entry_jumppad:
0x0: {  	(pc) =	sbr.rel $0x88, $3  }
0x1: {  	(tag) =	ssettag $0x0;
	lr =	simm.s32 $0x1  }
0x2: {  	[smem:$0x3F9F] =	sst lr;
	_ =	strace $0xD0000000  }
0x3: {  	_ = 	snop  }
0x4: {  	_ = 	snop  }
0x5: {  	_ = 	snop  }
0x6: {  	_ = 	snop  }
0x7: {  	_ = 	snop  }
__scs_overlays_trampoline_lowered:
0x8: {  	[smem:$0x3FAE] =	sst s0  }
0x9: {  	[smem:$0x3FAF] =	sst s1  }
0xa: {  	[smem:$0x3FB0] =	sst s2  }
0xb: {  	[smem:$0x3FB1] =	sst s3  }
0xc: {  	[smem:$0x3FB2] =	sst s4  }
0xd: {  	[smem:$0x3FB3] =	sst s5  }
0xe: {  	[smem:$0x3FB4] =	sst s6  }
0xf: {  	[smem:$0x3FB5] =	sst s7  }
0x10: {  	[smem:$0x3FB6] =	sst s8  }
0x11: {  	[smem:$0x3FB7] =	sst s9;
	s0 =	simm.s32 @!p0 $0x0  }
0x12: {  	s1 =	sld [smem:$0x3F9D];
	s0 =	simm.s32 @p0 $0x1  }
0x13: {  	[smem:$0x3FB8] =	sst s0;
	s0 =	simm.s32 @!p1 $0x0  }
0x14: {  	s2 =	sld [smem:$0x3F9C];
	s0 =	simm.s32 @p1 $0x1  }
0x15: {  	[smem:$0x3FB9] =	sst s0;
	s0 =	simm.s32 @!p2 $0x0  }
0x16: {  	s3 =	sld [smem:$0x3FDB];
	s0 =	simm.s32 @p2 $0x1  }
0x17: {  	s4 =	simm.s32 $0x1BF5;
	[smem:$0x3FBB] =	sst s0  }
0x18: {  	s0 =	sld [smem:$0x3F9E];
	_ =	swait.ge [sflag:s4], $0x0  }
0x19: {  	s7 =	sld [smem:$0x3F9F]  }
0x1a: {  	s8 =	sadd.s32 $0xFFFFE003, lr  }
0x1b: {  	s9 =	sadd.s32 $0xFFFFFEF7, lr;
	s5 =	simm.s32 $0xFFFFFFFF;
	p2 =	slt.u32 s8, $0xFFFFF086  }
0x1c: {  	p1 =	slt.u32 s9, $0xF7A;
	s5 =	simm.s32 @!p2 $0x0  }
0x1d: {  	s5 =	simm.s32 @p1 $0x1;
	p0 =	seq.s32 s7, s2  }
0x1e: {  	s7 =	smul.u32 @!p0 $0xF7A, s2;
	p2 =	seq.s32 @!p0 s5, $0x0  }
0x1f: {  	s9 =	smul.u32 $0xF7A, s1;
	s8 =	simm.s32 @!p0 $0x1BF5;
	p2 =	por !p2, p0  }
0x20: {  	[sflag:s8] =	ssyncset.s32 @!p0 $0xFFFFF086;
	s6 =	sadd.s32 @!p0 s3, s7;
	s7 =	simm.s32 @!p0 $0x108  }
0x21: {  	s3 =	sadd.s32 s3, s9;
	s6 =	sadd.s32 @!p0 $0x88, s6;
	s7 =	simm.s32 @p2 $0x1082  }
0x22: {  	[simem:s7], [sflag:s8] =	dma.local @!p0 [hbm:s6], $0xF7A  }
0x23: {  	s9 =	sor.u32 $0xD0000000, s2;
	s6 =	simm.s32 $0x108;
	_ =	swait.ge @!p0 [sflag:s8], $0x0  }
0x24: {  	s3 =	sadd.s32 $0x88, s3;
	s6 =	simm.s32 @!p1 $0x1082;
	[sflag:s4] =	ssyncset.s32 $0xFFFFF086  }
0x25: {  	[simem:s6], [sflag:s4] =	dma.local [hbm:s3], $0xF7A  }
0x26: {  	[smem:$0x3F9F] =	sst s1;
	(tag) =	ssettag s2;
	_ =	strace s9  }
0x27: {  	s1 =	sld [smem:$0x3FAF]  }
0x28: {  	s2 =	sld [smem:$0x3FB0]  }
0x29: {  	s4 =	sld [smem:$0x3FB2]  }
0x2a: {  	p0 =	seq.s32 s5, $0x0;
	s5 =	sld [smem:$0x3FB3]  }
0x2b: {  	s6 =	sld [smem:$0x3FB4]  }
0x2c: {  	s7 =	sld [smem:$0x3FB5]  }
0x2d: {  	s3 =	simm.s32 $0x108;
	s8 =	sld [smem:$0x3FB6]  }
0x2e: {  	s3 =	simm.s32 @!p0 $0x1082;
	s9 =	sld [smem:$0x3FB7]  }
0x2f: {  	lr =	sadd.s32 s0, s3;
	s0 =	sld [smem:$0x3FAE]  }
0x30: {  	s3 =	sld [smem:$0x3FB1]  }
0x31: {  	[smem:$0x3FBA] =	sst s10  }
0x32: {  	s10 =	sld [smem:$0x3FB8];
	_ =	sdelay $0x3  }
0x33: {  	p0 =	seq.s32 s10, $0x1;
	s10 =	sld [smem:$0x3FBA];
	_ =	sdelay $0x3  }
0x34: {  	[smem:$0x3FBA] =	sst s10  }
0x35: {  	s10 =	sld [smem:$0x3FB9];
	_ =	sdelay $0x3  }
0x36: {  	p1 =	seq.s32 s10, $0x1;
	s10 =	sld [smem:$0x3FBA];
	_ =	sdelay $0x3  }
0x37: {  	[smem:$0x3FBA] =	sst s10  }
0x38: {  	s10 =	sld [smem:$0x3FBB]  }
0x39: {  	_ = 	snop;
	(pc) =	sbr.ind lr, $3  }
0x3a: {  	_ = 	snop  }
0x3b: {  	_ = 	snop  }
0x3c: {  	p2 =	seq.s32 s10, $0x1;
	s10 =	sld [smem:$0x3FBA]  }
0x3d: {  	_ =	shalt  }
0x3e: {  	_ =	shalt  }
0x3f: {  	_ =	shalt  }
0x40: {  	_ =	shalt  }
0x41: {  	_ =	shalt  }
0x42: {  	_ =	shalt  }
0x43: {  	_ =	shalt  }
0x44: {  	_ =	shalt  }
0x45: {  	_ =	shalt  }
0x46: {  	_ =	shalt  }
0x47: {  	_ =	shalt  }
0x48: {  	_ =	shalt  }
0x49: {  	_ =	shalt  }
0x4a: {  	_ =	shalt  }
0x4b: {  	_ =	shalt  }
0x4c: {  	_ =	shalt  }
0x4d: {  	_ =	shalt  }
0x4e: {  	_ =	shalt  }
0x4f: {  	_ =	shalt  }
0x50: {  	_ =	shalt  }
0x51: {  	_ =	shalt  }
0x52: {  	_ =	shalt  }
0x53: {  	_ =	shalt  }
0x54: {  	_ =	shalt  }
0x55: {  	_ =	shalt  }
0x56: {  	_ =	shalt  }
0x57: {  	_ =	shalt  }
0x58: {  	_ =	shalt  }
0x59: {  	_ =	shalt  }
0x5a: {  	_ =	shalt  }
0x5b: {  	_ =	shalt  }
0x5c: {  	_ =	shalt  }
0x5d: {  	_ =	shalt  }
0x5e: {  	_ =	shalt  }
0x5f: {  	_ =	shalt  }
0x60: {  	_ =	shalt  }
0x61: {  	_ =	shalt  }
0x62: {  	_ =	shalt  }
0x63: {  	_ =	shalt  }
0x64: {  	_ =	shalt  }
0x65: {  	_ =	shalt  }
0x66: {  	_ =	shalt  }
0x67: {  	_ =	shalt  }
0x68: {  	_ =	shalt  }
0x69: {  	_ =	shalt  }
0x6a: {  	_ =	shalt  }
0x6b: {  	_ =	shalt  }
0x6c: {  	_ =	shalt  }
0x6d: {  	_ =	shalt  }
0x6e: {  	_ =	shalt  }
0x6f: {  	_ =	shalt  }
0x70: {  	_ =	shalt  }
0x71: {  	_ =	shalt  }
0x72: {  	_ =	shalt  }
0x73: {  	_ =	shalt  }
0x74: {  	_ =	shalt  }
0x75: {  	_ =	shalt  }
0x76: {  	_ =	shalt  }
0x77: {  	_ =	shalt  }
0x78: {  	_ =	shalt  }
0x79: {  	_ =	shalt  }
0x7a: {  	_ =	shalt  }
0x7b: {  	_ =	shalt  }
0x7c: {  	_ =	shalt  }
0x7d: {  	_ =	shalt  }
0x7e: {  	_ =	shalt  }
0x7f: {  	_ =	shalt  }
0x80: {  	_ =	shalt  }
0x81: {  	_ =	shalt  }
0x82: {  	_ =	shalt  }
0x83: {  	_ =	shalt  }
0x84: {  	_ =	shalt  }
0x85: {  	_ =	shalt  }
0x86: {  	_ =	shalt  }
0x87: {  	_ =	shalt  }
.Lfunc_end0:
.L_simem_size_0:
called_computation.2_lowered:
.L_overlay_start_0:
0x88: {  	s2 =	sld [smem:$0x3FD9]  }
0x89: {  	s3 =	sld [smem:$0x3FFE];
	_ =	sdelay $0x1  }
0x8a: {  	s1 =	srdreg.scid  }
0x8b: {  	s0 =	sand.u32 $0x1, s1  }
0x8c: {  	s17 =	sshll.u32 s0, $0xA;
	s2 =	sadd.s32 s3, s2  }
0x8d: {  	s2 =	sadd.s32 s2, s17  }
0x8e: {  	[smem:$0x3FC6] =	sst s2  }
0x8f: {  	_ = 	snop  }
0x90: {  	s2 =	sld [smem:$0x3FD0];
	(tm) =	ssettm $0x1  }
0x91: {  	s18 =	sld [smem:$0x3FFB];
	_ =	sdelay $0x3  }
0x92: {  	_ =	strace s18  }
0x93: {  	s3 =	sld [smem:$0x3FFC];
	_ =	sdelay $0x3  }
0x94: {  	_ =	strace s3  }
0x95: {  	s3 =	sld [smem:$0x3FFD];
	_ =	sdelay $0x3  }
0x96: {  	_ =	strace s3  }
0x97: {  	_ =	strace $0x8FFFFFFF  }
0x98: {  	s19 =	sld [smem:$0x3FDB];
	_ =	sdelay $0x1  }
0x99: {  	s4 =	simm.s32 $_scs_section_size  }
0x9a: {  	s5 =	simm.s32 $_size__tile_overlayer_lowered;
	s6 =	simm.s32 $_tile_overlayer_lowered  }
0x9b: {  	s22 =	simm.s32 $0x1BFF;
	s21 =	sshll.u32 s6, $0x1;
	s3 =	sadd.s32 s4, s19  }
0x9c: {  	s7 =	simm.s32 $0x0;
	s20 =	sshll.u32 s5, $0x1;
	s5 =	sadd.s32 s21, s3  }
0x9d: {  	[timem:s7], [sflag:s22] =	dma.local [hbm:s5], s20  }
0x9e: {  	_ =	swait.ge [sflag:s22], s20  }
0x9f: {  	s4 =	ssub.s32 $0x0, s20;
	[sflag:s22] =	ssyncset.done $0x0  }
0xa0: {  	[sflag:s22] =	ssyncadd.s32 s4;
	_ =	sdelay $0x1  }
0xa1: {  	s23 =	simm.s32 $0x1B8B  }
0xa2: {  	_ =	swait.ge [sflag:s23], $0x1  }
0xa3: {  	[sflag:s23] =	ssyncset.done $0x0  }
0xa4: {  	s25 =	simm.s32 $0x1B8E;
	s24 =	sld [smem:$0x3FFE];
	[sflag:s23] =	ssyncadd.s32 $0xFFFFFFFF  }
0xa5: {  	s26 =	simm.s32 $execute0_lowered;
	[smem:$0x3FD2] =	sst s25  }
0xa6: {  	s5 =	sshll.u32 s26, $0x1;
	_ =	strace $0x80000046;
	[dreg:$0x1] =	wrdreg $0xFFFFFFFF  }
0xa7: {  	s28 =	simm.s32 $_size_execute0_lowered;
	s3 =	sadd.s32 s3, s5;
	[dreg:$0x0] =	wrdreg $0x0  }
0xa8: {  	s5 =	sshll.u32 s28, $0x1;
	[dreg:$0x2] =	wrdreg s3  }
0xa9: {  	[dreg:$0x3] =	wrdreg s5  }
0xaa: {  	[dreg:$0x4] =	wrdreg $0xC0  }
0xab: {  	_ =	task [dreg:s7], $0x5FFFF  }
0xac: {  	[dreg:$0x1] =	wrdreg $0xFFFFFFFF  }
0xad: {  	[dreg:$0x0] =	wrdreg $0x60  }
0xae: {  	[dreg:$0x2] =	wrdreg s24  }
0xaf: {  	[dreg:$0x3] =	wrdreg s2  }
0xb0: {  	[dreg:$0x4] =	wrdreg $0x9  }
0xb1: {  	_ =	task.clear_ibuf [dreg:s7], $0x5FFFF;
	_ =	strace $0x90000046  }
0xb2: {  	s29 =	simm.s32 $0x9;
	_ =	strace $0x8000004F  }
0xb3: {  	_ =	swait.ge [sflag:s29], $0x1  }
0xb4: {  	[sflag:s29] =	ssyncadd.s32 $0xFFFFFFFF  }
0xb5: {  	_ =	strace $0x9000004F  }
0xb6: {  	_ =	sfence  }
0xb7: {  	s30 =	sld [smem:$0x0];
	_ =	sdelay $0x2  }
0xb8: {  	s31 =	sshll.u32 s1, $0xD;
	s1 =	sshrl.u32 s1, $0x2  }
0xb9: {  	s3 =	sand.u32 $0x4000, s31;
	s1 =	sadd.s32 s1, s30  }
0xba: {  	s0 =	sor.u32 s3, s0;
	s1 =	sshll.u32 s1, $0x11  }
0xbb: {  	s0 =	sor.u32 s1, s0  }
0xbc: {  	s0 =	sadd.s32 $0x8F2B, s0  }
0xbd: {  	[sflag:s0] =	ssyncadd.remote.s32 $0x1  }
0xbe: {  	_ =	sfence.sel $0xFFFF  }
0xbf: {  	[dreg:$0x0] =	wrdreg $0xFFFFFFFF;
	(pc) =	sbr.abs _section_cstart, $3  }
0xc0: {  	[dreg:$0x1] =	wrdreg $0xFFFFFFFF  }
0xc1: {  	_ =	task.clear_ibuf [dreg:s7], $0x2FFFF;
	_ =	strace $0x9FFFFFFF  }
0xc2: {  	(tm) =	ssettm $0x7FFFFFFF  }
0xc3: {  	_ =	shalt  }
tec
execute0_lowered:
.L_overlay_start_1:
0x0: {  	(tag) =	ssettag $0x1  }
0x1: {  	s0 =	srdreg.scid;
	s6 =	rddreg [dreg:$0x0]  }
0x2: {  	s2 =	rddreg [dreg:$0x1];
	s1 =	stileid.u32;
	s0 =	sand.u32 $0x1, s0  }
0x3: {  	s3 =	simm.s32 $0x0;
	s14 =	simm.s32 $0x400;
	s4 =	sshll.u32 s0, $0x4  }
0x4: {  	s15 =	simm.s32 $0x5;
	[smem:$0x7FF] =	sst s3;
	s5 =	sor.u32 s1, s4  }
0x5: {  	s16 =	simm.s32 $0x0;
	_ =	strace $0x80000047;
	s7 =	smul.u32 $0x6, s5  }
0x6: {  	s0 =	ssub.s32 $0x2, s0;
	s4 =	sadd.s32 $0x1000, s6;
	s8 =	smul.u32 $0x7, s5  }
0x7: {  	s6 =	sadd.s32 $0x1A000, s6;
	p0 =	slt.u32 s5, $0x8;
	s5 =	sadd.s32 $0x8, s7  }
0x8: {  	s10 =	sshrl.u32 s0, $0x1;
	s7 =	simm.s32 $0x7;
	s5 =	smov.u32 @p0 s8  }
0x9: {  	s0 =	ssub.s32 s0, s10;
	s7 =	simm.s32 @!p0 $0x6;
	s9 =	sshll.u32 s5, $0x9  }
0xa: {  	s12 =	smax.u32 s0, $0x1;
	s8 =	sshll.u32 s7, $0x2;
	s9 =	sand.u32 $0x1FFFFE00, s9  }
0xb: {  	s11 =	sadd.s32 $0x3FFFFFFF, s7;
	s10 =	sadd.s32 $0xFFFFFFFF, s8;
	s9 =	sadd.s32 s4, s9  }
.LBB2_1:
0xc: {  	_ =	strace $0x80000048  }
0xd: {  	s0 =	simm.s32 $0x8000;
	s24 =	simm.s32 $0x0;
	s25 =	simm.s32 $0x0  }
0xe: {  	s17 =	simm.s32 $0x0;
	s18 =	simm.s32 $0x0;
	s19 =	simm.s32 $0x0  }
0xf: {  	[tilespmem:s0], [sflag:$0x1] =	stream.linear.gather [hbm4b:s9+s3], $0x400, $0x200038;
	[tilespmem:$0x18800] =	vst v63  }
0x10: {  	s20 =	simm.s32 $0x1;
	s21 =	simm.s32 $0x0;
	_ =	strace $0x90000048  }
.LBB2_2:
0x11: {  	s22 =	sadd.s32 $0x1, s24  }
0x12: {  	s0 =	simm.s32 $0x1;
	p0 =	seq.s32 s22, $0x4  }
0x13: {  	s0 =	simm.s32 @!p0 $0x0  }
0x14: {  	s23 =	sadd.s32 s0, s25  }
0x15: {  	p1 =	seq.s32 s23, s7  }
0x16: {  	s26 =	sadd.s32 s5, s25;
	s29 =	simm.s32 $0x1;
	s23 =	simm.s32 @p1 $0x0  }
0x17: {  	s28 =	sshll.u32 s26, $0x2;
	p1 =	seq.s32 s24, $0x0;
	s1 =	sadd.s32 s5, s23  }
0x18: {  	s22 =	simm.s32 @p0 $0x0;
	s29 =	simm.s32 @!p1 $0x0;
	s0 =	sshll.u32 s1, $0x2  }
0x19: {  	s28 =	sadd.s32 s24, s28;
	s29 =	ssub.s32 s25, s29;
	s0 =	sadd.s32 s22, s0  }
0x1a: {  	p2 =	slt.u32 s21, s10;
	p3 =	seq.s32 s29, $0xFFFFFFFF;
	p0 =	sne.s32 s28, s0  }
0x1b: {  	s29 =	smov.u32 @p3 s11;
	p2 =	por !p2, !p0  }
0x1c: {  	s30 =	sadd.s32 $0xFFFFFFFF, s24;
	s29 =	sadd.s32 s5, s29;
	p2 =	por !p2, !p2  }
0x1d: {  	s31 =	sand.u32 @p2 $0x1, s20;
	_ =	strace @p2 $0x80000049;
	s0 =	sshll.u32 @p2 s0, $0x7  }
0x1e: {  	s13 =	simm.s32 @p2 $0x0;
	s1 =	sshll.u32 @p2 s31, $0xA;
	s0 =	sand.u32 @p2 $0x1FFFFF80, s0  }
0x1f: {  	s31 =	sadd.s32 @p2 $0x1, s31;
	s1 =	sor.u32 @p2 $0x8000, s1;
	s0 =	sadd.s32 @p2 s4, s0  }
0x20: {  	[tilespmem:s1], [sflag:s31] =	stream.linear.gather @p2 [hbm4b:s0+s13], $0x400, $0x200038;
	[tilespmem:$0x18800] =	vst v63  }
0x21: {  	s30 =	simm.s32 @p1 $0x3;
	s13 =	sshll.u32 s29, $0x2  }
0x22: {  	p1 =	seq.s32 s21, $0x0;
	s0 =	sadd.s32 s30, s13  }
0x23: {  	p3 =	seq.s32 @!p1 s28, s0  }
0x24: {  	p3 =	por p1, !p3  }
0x25: {  	_ =	strace @p2 $0x90000049;
	s0 =	sand.u32 @p3 $0x1, s19  }
0x26: {  	_ =	strace @p3 $0x8000004A;
	s0 =	sadd.s32 @p3 $0x1, s0  }
0x27: {  	_ =	swait.ge @p3 [sflag:s0], $0x400  }
0x28: {  	[sflag:s0] =	ssyncset.done @p3 $0x0  }
0x29: {  	s1 =	sshll.u32 s19, $0xA;
	[sflag:s0] =	ssyncadd.s32 @p3 $0xFFFFFC00  }
0x2a: {  	s0 =	sand.u32 $0x400, s1;
	_ =	strace @p3 $0x9000004A  }
0x2b: {  	s0 =	sor.u32 $0x8000, s0;
	_ =	strace $0x8000004B  }
0x2c: {  	[tilespmem:s3], [sflag:$0x5] =	stream.indirect.gather [hbm4b:s6+s14], $0x20, s0, s14, $0x2000b8;
	[tilespmem:$0x18800] =	vst v63  }
0x2d: {  	_ =	swait.ge [sflag:s15], $0x8000  }
0x2e: {  	[sflag:s15] =	ssyncset.done $0x0  }
0x2f: {  	s13 =	simm.s32 $0x200;
	[sflag:s15] =	ssyncadd.s32 $0xFFFF8000  }
0x30: {  	v0 =	vld [tilespmem:s13+$0x180]  }
0x31: {  	v1 =	vld [tilespmem:s13+$0xFFFFFE80]  }
0x32: {  	s28 =	sand.u32 $0x1, s18;
	v2 =	vld [tilespmem:s13+$0xFFFFFF00]  }
0x33: {  	s30 =	sshll.u32 s28, $0xF;
	v3 =	vld [tilespmem:s13+$0xFFFFFF80]  }
0x34: {  	s29 =	sadd.s32 $0x8A00, s30;
	v4 =	vld [tilespmem:s13+$0x0]  }
0x35: {  	v5 =	vld [tilespmem:s13+$0x80];
	[tilespmem:s29+$0x180] =	vst v0  }
0x36: {  	[tilespmem:s29+$0xFFFFFE80] =	vst v1;
	v1 =	vld [tilespmem:s13+$0x100]  }
0x37: {  	[tilespmem:s29+$0xFFFFFF00] =	vst v2;
	v2 =	vld [tilespmem:s13+$0xFFFFFE00]  }
0x38: {  	[tilespmem:s29+$0xFFFFFF80] =	vst v3;
	v0 =	vld [tilespmem:s13+$0x190]  }
0x39: {  	[tilespmem:s29+$0x0] =	vst v4;
	v3 =	vld [tilespmem:s13+$0xFFFFFE90]  }
0x3a: {  	[tilespmem:s29+$0x80] =	vst v5;
	v4 =	vld [tilespmem:s13+$0xFFFFFF10]  }
0x3b: {  	v5 =	vld [tilespmem:s13+$0xFFFFFF90];
	[tilespmem:s29+$0x100] =	vst v1  }
0x3c: {  	[tilespmem:s29+$0xFFFFFE00] =	vst v2;
	v1 =	vld [tilespmem:s13+$0x10]  }
0x3d: {  	[tilespmem:s29+$0x190] =	vst v0;
	v2 =	vld [tilespmem:s13+$0xFFFFFE10]  }
0x3e: {  	[tilespmem:s29+$0xFFFFFE90] =	vst v3;
	v3 =	vld [tilespmem:s13+$0x90]  }
0x3f: {  	[tilespmem:s29+$0xFFFFFF10] =	vst v4;
	v0 =	vld [tilespmem:s13+$0x1A0]  }
0x40: {  	[tilespmem:s29+$0xFFFFFF90] =	vst v5;
	v4 =	vld [tilespmem:s13+$0x110]  }
0x41: {  	v5 =	vld [tilespmem:s13+$0xFFFFFEA0];
	[tilespmem:s29+$0x10] =	vst v1  }
0x42: {  	v1 =	vld [tilespmem:s13+$0xFFFFFF20];
	[tilespmem:s29+$0xFFFFFE10] =	vst v2  }
0x43: {  	[tilespmem:s29+$0x90] =	vst v3;
	v3 =	vld [tilespmem:s13+$0xFFFFFFA0]  }
0x44: {  	[tilespmem:s29+$0x1A0] =	vst v0;
	v2 =	vld [tilespmem:s13+$0xFFFFFE20]  }
0x45: {  	[tilespmem:s29+$0x110] =	vst v4;
	v0 =	vld [tilespmem:s13+$0x1B0]  }
0x46: {  	v4 =	vld [tilespmem:s13+$0x20];
	[tilespmem:s29+$0xFFFFFEA0] =	vst v5  }
0x47: {  	v5 =	vld [tilespmem:s13+$0xA0];
	[tilespmem:s29+$0xFFFFFF20] =	vst v1  }
0x48: {  	v1 =	vld [tilespmem:s13+$0x120];
	[tilespmem:s29+$0xFFFFFFA0] =	vst v3  }
0x49: {  	v3 =	vld [tilespmem:s13+$0xFFFFFEB0];
	[tilespmem:s29+$0xFFFFFE20] =	vst v2  }
0x4a: {  	[tilespmem:s29+$0x1B0] =	vst v0;
	v2 =	vld [tilespmem:s13+$0xFFFFFE30]  }
0x4b: {  	[tilespmem:s29+$0x20] =	vst v4;
	v0 =	vld [tilespmem:s13+$0x1C0]  }
0x4c: {  	v4 =	vld [tilespmem:s13+$0xFFFFFF30];
	[tilespmem:s29+$0xA0] =	vst v5  }
0x4d: {  	v5 =	vld [tilespmem:s13+$0xFFFFFFB0];
	[tilespmem:s29+$0x120] =	vst v1  }
0x4e: {  	v1 =	vld [tilespmem:s13+$0x30];
	[tilespmem:s29+$0xFFFFFEB0] =	vst v3  }
0x4f: {  	v3 =	vld [tilespmem:s13+$0x130];
	[tilespmem:s29+$0xFFFFFE30] =	vst v2  }
0x50: {  	v2 =	vld [tilespmem:s13+$0xB0];
	[tilespmem:s29+$0x1C0] =	vst v0  }
0x51: {  	[tilespmem:s29+$0xFFFFFF30] =	vst v4;
	v0 =	vld [tilespmem:s13+$0x1D0]  }
0x52: {  	[tilespmem:s29+$0xFFFFFFB0] =	vst v5;
	v5 =	vld [tilespmem:s13+$0xFFFFFEC0]  }
0x53: {  	v4 =	vld [tilespmem:s13+$0xFFFFFE40];
	[tilespmem:s29+$0x30] =	vst v1  }
0x54: {  	v1 =	vld [tilespmem:s13+$0xFFFFFF40];
	[tilespmem:s29+$0x130] =	vst v3  }
0x55: {  	v3 =	vld [tilespmem:s13+$0x40];
	[tilespmem:s29+$0xB0] =	vst v2  }
0x56: {  	v2 =	vld [tilespmem:s13+$0xFFFFFFC0];
	[tilespmem:s29+$0x1D0] =	vst v0  }
0x57: {  	[tilespmem:s29+$0xFFFFFEC0] =	vst v5;
	v0 =	vld [tilespmem:s13+$0x1E0]  }
0x58: {  	v5 =	vld [tilespmem:s13+$0x140];
	[tilespmem:s29+$0xFFFFFE40] =	vst v4  }
0x59: {  	v4 =	vld [tilespmem:s13+$0xC0];
	[tilespmem:s29+$0xFFFFFF40] =	vst v1  }
0x5a: {  	v1 =	vld [tilespmem:s13+$0xFFFFFE50];
	[tilespmem:s29+$0x40] =	vst v3  }
0x5b: {  	[tilespmem:s29+$0xFFFFFFC0] =	vst v2;
	v2 =	vld [tilespmem:s13+$0xFFFFFED0]  }
0x5c: {  	v3 =	vld [tilespmem:s13+$0xFFFFFF50];
	[tilespmem:s29+$0x1E0] =	vst v0  }
0x5d: {  	[tilespmem:s29+$0x140] =	vst v5;
	v0 =	vld [tilespmem:s13+$0x1F0]  }
0x5e: {  	v5 =	vld [tilespmem:s13+$0x50];
	[tilespmem:s29+$0xC0] =	vst v4  }
0x5f: {  	v4 =	vld [tilespmem:s13+$0xFFFFFFD0];
	[tilespmem:s29+$0xFFFFFE50] =	vst v1  }
0x60: {  	v1 =	vld [tilespmem:s13+$0x150];
	[tilespmem:s29+$0xFFFFFED0] =	vst v2  }
0x61: {  	[tilespmem:s29+$0xFFFFFF50] =	vst v3;
	v3 =	vld [tilespmem:s13+$0xFFFFFEE0]  }
0x62: {  	[tilespmem:s29+$0x1F0] =	vst v0;
	v0 =	vld [tilespmem:s13+$0xD0]  }
0x63: {  	[tilespmem:s29+$0x50] =	vst v5;
	v2 =	vld [tilespmem:s13+$0xFFFFFE60]  }
0x64: {  	v6 =	vld [tilespmem:s13+$0x60];
	[tilespmem:s29+$0xFFFFFFD0] =	vst v4  }
0x65: {  	v4 =	vld [tilespmem:s13+$0xFFFFFF60];
	[tilespmem:s29+$0x150] =	vst v1  }
0x66: {  	v5 =	vld [tilespmem:s13+$0xFFFFFFE0];
	[tilespmem:s29+$0xFFFFFEE0] =	vst v3  }
0x67: {  	v3 =	vld [tilespmem:s13+$0x160];
	[tilespmem:s29+$0xD0] =	vst v0  }
0x68: {  	[tilespmem:s29+$0xFFFFFE60] =	vst v2;
	v2 =	vld [tilespmem:s13+$0xE0]  }
0x69: {  	[tilespmem:s29+$0x60] =	vst v6;
	v7 =	vld [tilespmem:s13+$0xFFFFFE70]  }
0x6a: {  	[tilespmem:s29+$0xFFFFFF60] =	vst v4;
	v4 =	vld [tilespmem:s13+$0xFFFFFEF0]  }
0x6b: {  	[tilespmem:s29+$0xFFFFFFE0] =	vst v5;
	v0 =	vld [tilespmem:s13+$0xFFFFFF70]  }
0x6c: {  	v1 =	vld [tilespmem:s13+$0xFFFFFFF0];
	[tilespmem:s29+$0x160] =	vst v3  }
0x6d: {  	s1 =	simm.s32 $0x1;
	[tilespmem:s29+$0xE0] =	vst v2;
	v2 =	vld [tilespmem:s13+$0x70]  }
0x6e: {  	s31 =	simm.s32 $0x0;
	s1 =	simm.s32 @!p2 $0x0;
	[tilespmem:s29+$0xFFFFFE70] =	vst v7;
	v3 =	vld [tilespmem:s13+$0xF0]  }
0x6f: {  	s30 =	sadd.s32 $0x8800, s30;
	s20 =	sadd.s32 s1, s20;
	s0 =	simm.s32 $0x600;
	[tilespmem:s29+$0xFFFFFEF0] =	vst v4;
	v4 =	vld [tilespmem:s13+$0x170]  }
.LBB2_3:
0x70: {  	v5 =	vld [tilespmem:s0+$0x180];
	s31 =	sadd.s32 $0x8, s31;
	[tilespmem:s29+$0xFFFFFF70] =	vst v0  }
0x71: {  	v0 =	vld [tilespmem:s0+$0xFFFFFE80];
	p2 =	slt.u32 s31, $0xF8;
	[tilespmem:s29+$0xFFFFFFF0] =	vst v1  }
0x72: {  	v1 =	vld [tilespmem:s0+$0xFFFFFF00];
	[tilespmem:s29+$0x70] =	vst v2  }
0x73: {  	v2 =	vld [tilespmem:s0+$0xFFFFFF80];
	[tilespmem:s29+$0xF0] =	vst v3  }
0x74: {  	v3 =	vld [tilespmem:s0+$0x0];
	[tilespmem:s29+$0x170] =	vst v4;
	s29 =	sadd.s32 $0x400, s29  }
0x75: {  	v4 =	vld [tilespmem:s0+$0x80];
	[tilespmem:s29+$0x180] =	vst v5  }
0x76: {  	[tilespmem:s29+$0xFFFFFE80] =	vst v0;
	v0 =	vld [tilespmem:s0+$0x190]  }
0x77: {  	[tilespmem:s29+$0xFFFFFF00] =	vst v1;
	v1 =	vld [tilespmem:s0+$0x100]  }
0x78: {  	v5 =	vld [tilespmem:s0+$0xFFFFFE00];
	[tilespmem:s29+$0xFFFFFF80] =	vst v2  }
0x79: {  	v2 =	vld [tilespmem:s0+$0xFFFFFE90];
	[tilespmem:s29+$0x0] =	vst v3  }
0x7a: {  	v3 =	vld [tilespmem:s0+$0xFFFFFF10];
	[tilespmem:s29+$0x80] =	vst v4  }
0x7b: {  	v4 =	vld [tilespmem:s0+$0xFFFFFF90];
	[tilespmem:s29+$0x190] =	vst v0  }
0x7c: {  	[tilespmem:s29+$0x100] =	vst v1;
	v0 =	vld [tilespmem:s0+$0x1A0]  }
0x7d: {  	[tilespmem:s29+$0xFFFFFE00] =	vst v5;
	v1 =	vld [tilespmem:s0+$0x10]  }
0x7e: {  	v5 =	vld [tilespmem:s0+$0xFFFFFE10];
	[tilespmem:s29+$0xFFFFFE90] =	vst v2  }
0x7f: {  	[tilespmem:s29+$0xFFFFFF10] =	vst v3;
	v2 =	vld [tilespmem:s0+$0x90]  }
0x80: {  	[tilespmem:s29+$0xFFFFFF90] =	vst v4;
	v3 =	vld [tilespmem:s0+$0x110]  }
0x81: {  	v4 =	vld [tilespmem:s0+$0xFFFFFEA0];
	[tilespmem:s29+$0x1A0] =	vst v0  }
0x82: {  	[tilespmem:s29+$0x10] =	vst v1;
	v0 =	vld [tilespmem:s0+$0x1B0]  }
0x83: {  	[tilespmem:s29+$0xFFFFFE10] =	vst v5;
	v1 =	vld [tilespmem:s0+$0xFFFFFF20]  }
0x84: {  	v5 =	vld [tilespmem:s0+$0xFFFFFE20];
	[tilespmem:s29+$0x90] =	vst v2  }
0x85: {  	v2 =	vld [tilespmem:s0+$0xFFFFFFA0];
	[tilespmem:s29+$0x110] =	vst v3  }
0x86: {  	[tilespmem:s29+$0xFFFFFEA0] =	vst v4;
	v3 =	vld [tilespmem:s0+$0x20]  }
0x87: {  	v4 =	vld [tilespmem:s0+$0xA0];
	[tilespmem:s29+$0x1B0] =	vst v0  }
0x88: {  	[tilespmem:s29+$0xFFFFFF20] =	vst v1;
	v0 =	vld [tilespmem:s0+$0x1C0]  }
0x89: {  	[tilespmem:s29+$0xFFFFFE20] =	vst v5;
	v1 =	vld [tilespmem:s0+$0x120]  }
0x8a: {  	v5 =	vld [tilespmem:s0+$0xFFFFFE30];
	[tilespmem:s29+$0xFFFFFFA0] =	vst v2  }
0x8b: {  	v2 =	vld [tilespmem:s0+$0xFFFFFEB0];
	[tilespmem:s29+$0x20] =	vst v3  }
0x8c: {  	v3 =	vld [tilespmem:s0+$0xFFFFFF30];
	[tilespmem:s29+$0xA0] =	vst v4  }
0x8d: {  	v4 =	vld [tilespmem:s0+$0xFFFFFFB0];
	[tilespmem:s29+$0x1C0] =	vst v0  }
0x8e: {  	[tilespmem:s29+$0x120] =	vst v1;
	v0 =	vld [tilespmem:s0+$0x1D0]  }
0x8f: {  	[tilespmem:s29+$0xFFFFFE30] =	vst v5;
	v1 =	vld [tilespmem:s0+$0x30]  }
0x90: {  	[tilespmem:s29+$0xFFFFFEB0] =	vst v2;
	v2 =	vld [tilespmem:s0+$0xB0]  }
0x91: {  	[tilespmem:s29+$0xFFFFFF30] =	vst v3;
	v3 =	vld [tilespmem:s0+$0x130]  }
0x92: {  	v5 =	vld [tilespmem:s0+$0xFFFFFE40];
	[tilespmem:s29+$0xFFFFFFB0] =	vst v4  }
0x93: {  	v4 =	vld [tilespmem:s0+$0xFFFFFEC0];
	[tilespmem:s29+$0x1D0] =	vst v0  }
0x94: {  	[tilespmem:s29+$0x30] =	vst v1;
	v0 =	vld [tilespmem:s0+$0x1E0]  }
0x95: {  	v1 =	vld [tilespmem:s0+$0xFFFFFF40];
	[tilespmem:s29+$0xB0] =	vst v2  }
0x96: {  	v2 =	vld [tilespmem:s0+$0xFFFFFFC0];
	[tilespmem:s29+$0x130] =	vst v3  }
0x97: {  	[tilespmem:s29+$0xFFFFFE40] =	vst v5;
	v3 =	vld [tilespmem:s0+$0x40]  }
0x98: {  	[tilespmem:s29+$0xFFFFFEC0] =	vst v4;
	v4 =	vld [tilespmem:s0+$0xC0]  }
0x99: {  	v5 =	vld [tilespmem:s0+$0x140];
	[tilespmem:s29+$0x1E0] =	vst v0  }
0x9a: {  	[tilespmem:s29+$0xFFFFFF40] =	vst v1;
	v0 =	vld [tilespmem:s0+$0x1F0]  }
0x9b: {  	v1 =	vld [tilespmem:s0+$0xFFFFFE50];
	[tilespmem:s29+$0xFFFFFFC0] =	vst v2  }
0x9c: {  	v2 =	vld [tilespmem:s0+$0xFFFFFED0];
	[tilespmem:s29+$0x40] =	vst v3  }
0x9d: {  	v3 =	vld [tilespmem:s0+$0xFFFFFF50];
	[tilespmem:s29+$0xC0] =	vst v4  }
0x9e: {  	v4 =	vld [tilespmem:s0+$0xFFFFFFD0];
	[tilespmem:s29+$0x140] =	vst v5  }
0x9f: {  	v5 =	vld [tilespmem:s0+$0x50];
	[tilespmem:s29+$0x1F0] =	vst v0  }
0xa0: {  	[tilespmem:s29+$0xFFFFFE50] =	vst v1;
	v0 =	vld [tilespmem:s0+$0xD0]  }
0xa1: {  	[tilespmem:s29+$0xFFFFFED0] =	vst v2;
	v1 =	vld [tilespmem:s0+$0x150]  }
0xa2: {  	v2 =	vld [tilespmem:s0+$0xFFFFFE60];
	[tilespmem:s29+$0xFFFFFF50] =	vst v3  }
0xa3: {  	v3 =	vld [tilespmem:s0+$0xFFFFFEE0];
	[tilespmem:s29+$0xFFFFFFD0] =	vst v4  }
0xa4: {  	v4 =	vld [tilespmem:s0+$0xFFFFFF60];
	[tilespmem:s29+$0x50] =	vst v5  }
0xa5: {  	v5 =	vld [tilespmem:s0+$0xFFFFFFE0];
	[tilespmem:s29+$0xD0] =	vst v0  }
0xa6: {  	v6 =	vld [tilespmem:s0+$0x60];
	[tilespmem:s29+$0x150] =	vst v1  }
0xa7: {  	[tilespmem:s29+$0xFFFFFE60] =	vst v2;
	v2 =	vld [tilespmem:s0+$0xE0]  }
0xa8: {  	[tilespmem:s29+$0xFFFFFEE0] =	vst v3;
	v3 =	vld [tilespmem:s0+$0x160]  }
0xa9: {  	v7 =	vld [tilespmem:s0+$0xFFFFFE70];
	[tilespmem:s29+$0xFFFFFF60] =	vst v4  }
0xaa: {  	v4 =	vld [tilespmem:s0+$0xFFFFFEF0];
	[tilespmem:s29+$0xFFFFFFE0] =	vst v5  }
.Ltmp0:
0xab: {  	v0 =	vld [tilespmem:s0+$0xFFFFFF70];
	[tilespmem:s29+$0x60] =	vst v6;
	(pc) =	sbr.rel @p2 .LBB2_3-.Ltmp0, $4  }
0xac: {  	v1 =	vld [tilespmem:s0+$0xFFFFFFF0];
	[tilespmem:s29+$0xE0] =	vst v2  }
0xad: {  	v2 =	vld [tilespmem:s0+$0x70];
	[tilespmem:s29+$0x160] =	vst v3  }
0xae: {  	[tilespmem:s29+$0xFFFFFE70] =	vst v7;
	v3 =	vld [tilespmem:s0+$0xF0]  }
0xaf: {  	[tilespmem:s29+$0xFFFFFEF0] =	vst v4;
	v4 =	vld [tilespmem:s0+$0x170];
	s0 =	sadd.s32 $0x400, s0  }
0xb0: {  	[tilespmem:s29+$0xFFFFFF70] =	vst v0;
	p3 =	sne.s32 s25, s23;
	p4 =	sne.s32 s24, s22  }
0xb1: {  	p2 =	seq.s32 s21, s10;
	[tilespmem:s29+$0xFFFFFFF0] =	vst v1;
	p3 =	por p4, p3  }
0xb2: {  	[tilespmem:s29+$0x70] =	vst v2;
	p3 =	por p2, p3  }
0xb3: {  	[tilespmem:s29+$0xF0] =	vst v3;
	s0 =	sshll.u32 @p3 s26, $0x11;
	s1 =	sshll.u32 @p3 s24, $0xF  }
0xb4: {  	p0 =	por p2, p0;
	[tilespmem:s29+$0x170] =	vst v4;
	s0 =	sadd.s32 @p3 s1, s0  }
0xb5: {  	s13 =	simm.s32 @p3 $0x0;
	_ =	strace $0x9000004B;
	s0 =	sshrl.u32 @p3 s0, $0x3  }
0xb6: {  	s1 =	sadd.s32 @p3 $0x3, s28;
	_ =	strace @p3 $0x8000004C;
	s0 =	sadd.s32 @p3 s2, s0  }
0xb7: {  	[hbm4b:s0+s13] =	stream.linear.scatter @p3 [tilespmem:s30], [sflag:s1], $0x8000, $0x200038;
	[tilespmem:$0x18800] =	vst v63  }
0xb8: {  	s0 =	sand.u32 @!p1 $0x1, s17;
	s1 =	simm.s32 $0x1;
	_ =	strace @p3 $0x9000004C  }
0xb9: {  	s0 =	sadd.s32 @!p1 $0x3, s0;
	s1 =	simm.s32 @!p3 $0x0;
	p3 =	sne.s32 s21, $0x0  }
0xba: {  	s21 =	sadd.s32 $0x1, s21;
	s18 =	sadd.s32 s1, s18;
	s1 =	simm.s32 $0x1  }
0xbb: {  	_ =	strace @!p1 $0x8000004D;
	s1 =	simm.s32 @!p0 $0x0;
	p0 =	sne.s32 s21, s8  }
.Ltmp1:
0xbc: {  	_ =	swait.ge @!p1 [sflag:s0], $0x8000;
	(pc) =	sbr.rel @p0 .LBB2_2-.Ltmp1, $4  }
0xbd: {  	[sflag:s0] =	ssyncset.done @!p1 $0x0  }
0xbe: {  	[sflag:s0] =	ssyncadd.s32 @!p1 $0xFFFF8000;
	s0 =	simm.s32 $0x1  }
0xbf: {  	s25 =	smov.u32 s23;
	s24 =	smov.u32 s22;
	s0 =	simm.s32 @!p3 $0x0  }
0xc0: {  	s19 =	sadd.s32 s1, s19;
	_ =	strace @!p1 $0x9000004D;
	s17 =	sadd.s32 s0, s17  }
0xc1: {  	s16 =	sadd.s32 $0x1, s16  }
0xc2: {  	s0 =	sand.u32 $0x1, s17;
	p0 =	sne.s32 s16, s12  }
.Ltmp2:
0xc3: {  	_ =	strace $0x8000004E;
	s0 =	sadd.s32 $0x3, s0;
	(pc) =	sbr.rel @p0 .LBB2_1-.Ltmp2, $4  }
0xc4: {  	_ =	swait.ge [sflag:s0], $0x8000  }
0xc5: {  	[sflag:s0] =	ssyncset.done $0x0  }
0xc6: {  	[sflag:s0] =	ssyncadd.s32 $0xFFFF8000  }
0xc7: {  	_ =	strace $0x9000004E  }
0xc8: {  	_ =	sfence.sel $0x180000  }
0xc9: {  	[bflag:$0x0] =	sbarrier.arrive $0xFFFF  }
0xca: {  	_ =	strace $0x90000047  }
0xcb: {  	s0 =	stileid.u32;
	[bflag:$0x2] =	sbarrier.arrive $0xFFFF  }
0xcc: {  	p0 =	sne.s32 s0, $0x0;
	s0 =	rddreg [dreg:$0x2]  }
0xcd: {  	s0 =	sadd.s32 @!p0 $0x100000, s0  }
0xce: {  	[sflag:s0] =	ssyncadd.tile.s32 @!p0 $0x1;
	_ =	shalt  }
.Lfunc_end2:
_tile_overlayer_lowered:
.L_overlay_start_2:
0xcf: {  	(tag) =	ssettag $0x2  }
0xd0: {  	s0 =	rddreg [dreg:$0x0];
	s2 =	stileid.u32  }
0xd1: {  	s1 =	rddreg [dreg:$0x1];
	p0 =	sne.s32 s2, $0x0  }
0xd2: {  	s3 =	rddreg [dreg:$0x2];
	[bflag:$0x3] =	sbarrier.arrive $0xFFFF;
	s2 =	simm.s32 @!p0 $0x1C01  }
0xd3: {  	[timem:s3], [sflag:s2] =	dma.local @!p0 [hbm:s0], s1  }
0xd4: {  	s0 =	simm.s32 @!p0 $0x1  }
0xd5: {  	_ =	swait.ge @!p0 [sflag:s0], s1  }
0xd6: {  	s1 =	ssub.s32 @!p0 $0x0, s1;
	[sflag:s0] =	ssyncset.done @!p0 $0x0  }
0xd7: {  	[sflag:s0] =	ssyncadd.s32 @!p0 s1  }
0xd8: {  	[bflag:$0x3] =	sbarrier.arrive $0xFFFF  }
0xd9: {  	_ =	shalt  }

// kernel: sparse-core-data-format-call.1.cloned.1.call-start
scs
called_computation.1_lowered:
.L_overlay_start_0:
0x0: {  	s2 =	sld [smem:$0x3FD9]  }
0x1: {  	s3 =	sld [smem:$0x3FFE];
	_ =	sdelay $0x1  }
0x2: {  	s1 =	srdreg.scid  }
0x3: {  	s0 =	sand.u32 $0x1, s1  }
0x4: {  	s18 =	sshll.u32 s0, $0xA;
	s2 =	sadd.s32 s3, s2  }
0x5: {  	s2 =	sadd.s32 s2, s18  }
0x6: {  	[smem:$0x3FC6] =	sst s2  }
0x7: {  	_ = 	snop  }
0x8: {  	s2 =	sld [smem:$0x3FD0];
	(tm) =	ssettm $0x1  }
0x9: {  	s19 =	sld [smem:$0x3FFB];
	_ =	sdelay $0x3  }
0xa: {  	_ =	strace s19  }
0xb: {  	s3 =	sld [smem:$0x3FFC];
	_ =	sdelay $0x3  }
0xc: {  	_ =	strace s3  }
0xd: {  	s3 =	sld [smem:$0x3FFD];
	_ =	sdelay $0x3  }
0xe: {  	_ =	strace s3  }
0xf: {  	_ =	strace $0x8FFFFFFF  }
0x10: {  	s20 =	sld [smem:$0x3FDB];
	_ =	sdelay $0x1  }
0x11: {  	s4 =	simm.s32 $_scs_section_size  }
0x12: {  	s5 =	simm.s32 $_size__tile_overlayer_lowered;
	s6 =	simm.s32 $_tile_overlayer_lowered  }
0x13: {  	s23 =	simm.s32 $0x1BFF;
	s22 =	sshll.u32 s6, $0x1;
	s3 =	sadd.s32 s4, s20  }
0x14: {  	s7 =	simm.s32 $0x0;
	s21 =	sshll.u32 s5, $0x1;
	s5 =	sadd.s32 s22, s3  }
0x15: {  	[timem:s7], [sflag:s23] =	dma.local [hbm:s5], s21  }
0x16: {  	_ =	swait.ge [sflag:s23], s21  }
0x17: {  	s4 =	ssub.s32 $0x0, s21;
	[sflag:s23] =	ssyncset.done $0x0  }
0x18: {  	[sflag:s23] =	ssyncadd.s32 s4;
	_ =	sdelay $0x1  }
0x19: {  	s24 =	simm.s32 $0x1B8B  }
0x1a: {  	_ =	swait.ge [sflag:s24], $0x1  }
0x1b: {  	[sflag:s24] =	ssyncset.done $0x0  }
0x1c: {  	s26 =	simm.s32 $0x1B8E;
	s25 =	sld [smem:$0x3FFE];
	[sflag:s24] =	ssyncadd.s32 $0xFFFFFFFF  }
0x1d: {  	s27 =	simm.s32 $execute0_lowered;
	[smem:$0x3FD2] =	sst s26  }
0x1e: {  	s5 =	sshll.u32 s27, $0x1;
	_ =	strace $0x80000050;
	[dreg:$0x1] =	wrdreg $0xFFFFFFFF  }
0x1f: {  	s28 =	simm.s32 $_size_execute0_lowered;
	s3 =	sadd.s32 s3, s5;
	[dreg:$0x0] =	wrdreg $0x0  }
0x20: {  	s5 =	sshll.u32 s28, $0x1;
	[dreg:$0x2] =	wrdreg s3  }
0x21: {  	[dreg:$0x3] =	wrdreg s5  }
0x22: {  	[dreg:$0x4] =	wrdreg $0xC0  }
0x23: {  	_ =	task [dreg:s7], $0x5FFFF  }
0x24: {  	[dreg:$0x1] =	wrdreg $0xFFFFFFFF  }
0x25: {  	[dreg:$0x0] =	wrdreg $0x60  }
0x26: {  	[dreg:$0x2] =	wrdreg s2  }
0x27: {  	[dreg:$0x3] =	wrdreg s25  }
0x28: {  	[dreg:$0x4] =	wrdreg $0x9  }
0x29: {  	_ =	task.clear_ibuf [dreg:s7], $0x5FFFF;
	_ =	strace $0x90000050  }
0x2a: {  	s29 =	simm.s32 $0x9;
	_ =	strace $0x80000052  }
0x2b: {  	_ =	swait.ge [sflag:s29], $0x1  }
0x2c: {  	[sflag:s29] =	ssyncadd.s32 $0xFFFFFFFF  }
0x2d: {  	_ =	strace $0x90000052  }
0x2e: {  	_ =	sfence  }
0x2f: {  	s30 =	sld [smem:$0x0];
	_ =	sdelay $0x2  }
0x30: {  	s31 =	sshll.u32 s1, $0xD;
	s1 =	sshrl.u32 s1, $0x2  }
0x31: {  	s3 =	sand.u32 $0x4000, s31;
	s1 =	sadd.s32 s1, s30  }
0x32: {  	s0 =	sor.u32 s3, s0;
	s1 =	sshll.u32 s1, $0x11  }
0x33: {  	s0 =	sor.u32 s1, s0  }
0x34: {  	s0 =	sadd.s32 $0x8F2B, s0  }
0x35: {  	[sflag:s0] =	ssyncadd.remote.s32 $0x1  }
0x36: {  	_ =	sfence.sel $0xFFFF  }
0x37: {  	[dreg:$0x0] =	wrdreg $0xFFFFFFFF;
	(pc) =	sbr.abs _section_cstart, $3  }
0x38: {  	[dreg:$0x1] =	wrdreg $0xFFFFFFFF  }
0x39: {  	_ =	task.clear_ibuf [dreg:s7], $0x2FFFF;
	_ =	strace $0x9FFFFFFF  }
0x3a: {  	(tm) =	ssettm $0x7FFFFFFF  }
0x3b: {  	_ =	shalt  }
tec
execute0_lowered:
.L_overlay_start_1:
0x0: {  	(tag) =	ssettag $0x1  }
0x1: {  	s2 =	rddreg [dreg:$0x0];
	s0 =	srdreg.scid  }
0x2: {  	s3 =	rddreg [dreg:$0x1];
	s1 =	stileid.u32  }
0x3: {  	s5 =	simm.s32 $0x1;
	s7 =	simm.s32 $0x2;
	s11 =	simm.s32 $0x0  }
0x4: {  	p0 =	por $0x0, $0x0;
	s12 =	simm.s32 $0x0;
	s8 =	simm.s32 $0x0  }
.Ltmp0:
0x5: {  	s4 =	sshll.u32 s0, $0x4;
	s0 =	rddreg [dreg:$0x2];
	(pc) =	sbr.rel .LBB1_1-.Ltmp0, $4  }
0x6: {  	_ =	strace $0x80000051;
	s3 =	sadd.s32 $0x1000, s3;
	s4 =	sand.u32 $0x10, s4  }
0x7: {  	s6 =	sshll.u32 s1, $0x7;
	[sflag:s5] =	ssyncpa.u1 $0x0;
	s4 =	sor.u32 s1, s4  }
0x8: {  	s6 =	sand.u32 $0x80, s6;
	[sflag:s7] =	ssyncpa.u1 $0x0;
	s4 =	sshrl.u32 s4, $0x1  }
0x9: {  	s7 =	simm.s32 $0x800;
	s10 =	smov.u32 s6;
	s9 =	smov.u32 s4  }
.LBB1_5:
0xa: {  	s13 =	sadd.s32 $0x10, s9  }
0xb: {  	s11 =	sadd.s32 $0x100, s10;
	s15 =	smov.u32 s10;
	p2 =	sgt.s32 s13, $0x3FF  }
0xc: {  	p1 =	slt.u32 s8, $0x2;
	s15 =	smov.u32 @p2 s11  }
0xd: {  	s8 =	sadd.s32 $0x1, s8;
	s13 =	smov.u32 @p2 s4;
	p2 =	sgt.s32 s15, $0xC7  }
0xe: {  	s15 =	smov.u32 @p2 s6;
	p2 =	sne.s32 s8, $0x42  }
.Ltmp1:
0xf: {  	_ = 	snop;
	(pc) =	sbr.rel @!p2 .LBB1_6-.Ltmp1, $4  }
0x10: {  	s14 =	simm.s32 @!p1 $0x2  }
0x11: {  	s12 =	smov.u32 s10;
	_ =	swait.ge @!p1 [sflag:s14], $0x4000  }
0x12: {  	p0 =	por !p0, !p0;
	s11 =	smov.u32 s9;
	[sflag:s14] =	ssyncset.done @!p1 $0x0  }
0x13: {  	s9 =	smov.u32 s13;
	[sflag:s14] =	ssyncadd.s32 @!p1 $0xFFFFC000;
	s10 =	smov.u32 s15  }
.LBB1_1:
0x14: {  	p1 =	sgt.u32 s8, $0x3F  }
0x15: {  	p2 =	sgt.s32 @!p1 s10, $0x48  }
0x16: {  	s13 =	smov.u32 s10;
	s15 =	smov.u32 s9;
	p2 =	por !p2, p1  }
0x17: {  	s14 =	sshra.s32 @!p1 s10, $0x1F;
	s13 =	simm.s32 @p2 $0x48;
	p2 =	sgt.s32 @!p1 s9, $0x3FF  }
0x18: {  	s16 =	sshra.s32 @!p1 s9, $0x1F;
	s14 =	sand.u32 @!p1 s14, s10;
	p2 =	por !p2, p1  }
0x19: {  	s13 =	ssub.s32 @!p1 s13, s14;
	s14 =	sand.u32 @!p1 s16, s9;
	s15 =	simm.s32 @p2 $0x3FF  }
0x1a: {  	s16 =	sshll.u32 @!p1 s9, $0x4;
	s13 =	sadd.s32 @!p1 $0xFFFFFFB8, s13;
	s14 =	ssub.s32 @!p1 s15, s14  }
0x1b: {  	p2 =	sgt.s32 @!p1 s13, $0x7F;
	s13 =	sshll.u32 @!p1 s13, $0x7;
	s15 =	sadd.s32 @!p1 $0xFFFFFC01, s14  }
0x1c: {  	s14 =	ssub.s32 @!p1 $0x400, s14;
	s13 =	ssub.s32 @!p1 $0x4000, s13;
	p3 =	sgt.s32 @!p1 s15, $0x0  }
0x1d: {  	p2 =	por !p2, p1;
	s15 =	sxor.u32 @!p1 $0xFFFFFFFF, s8;
	p3 =	por !p3, p1  }
0x1e: {  	s13 =	simm.s32 @!p2 $0x0;
	s15 =	sshll.u32 @!p1 s15, $0xE;
	s14 =	simm.s32 @!p3 $0x0  }
0x1f: {  	s13 =	smul.u32 @!p1 s14, s13;
	s14 =	sand.u32 @!p1 $0x4000, s15;
	s15 =	sshll.u32 @!p1 s10, $0xE  }
0x20: {  	s17 =	simm.s32 @!p1 $0x20000;
	s16 =	sand.u32 @!p1 $0x3FF0, s16;
	s15 =	sadd.s32 @!p1 s2, s15  }
0x21: {  	s13 =	sand.u32 @!p1 $0x3FFFFF80, s13;
	s15 =	sadd.s32 @!p1 s16, s15;
	s16 =	simm.s32 @!p1 $0x80  }
0x22: {  	[tilespmem:s14], [sflag:$0x1] =	stream.strided.gather @!p1 [hbm4b:s15+s16], s13, s17, s16, $0x38;
	[tilespmem:$0x10100] =	vst v63  }
0x23: {  	p1 =	seq.s32 s8, $0x0  }
0x24: {  	p2 =	seq.s32 @!p1 s8, $0x41  }
0x25: {  	p1 =	por p1, p2  }
.Ltmp2:
0x26: {  	_ = 	snop;
	(pc) =	sbr.rel @p1 .LBB1_5-.Ltmp2, $1  }
0x27: {  	_ =	sdelay $0x3  }
0x28: {  	p1 =	sgt.s32 s12, $0x48;
	s13 =	smov.u32 s12  }
0x29: {  	s14 =	sshra.s32 s12, $0x1F;
	s15 =	smov.u32 s11;
	s16 =	sshra.s32 s11, $0x1F  }
0x2a: {  	s13 =	simm.s32 @!p1 $0x48;
	s14 =	sand.u32 s14, s12;
	p1 =	sgt.s32 s11, $0x3FF  }
0x2b: {  	s27 =	sand.u32 s16, s11;
	s13 =	ssub.s32 s13, s14;
	s15 =	simm.s32 @!p1 $0x3FF  }
0x2c: {  	s13 =	sadd.s32 $0xFFFFFFB8, s13;
	s14 =	ssub.s32 s15, s27  }
0x2d: {  	p1 =	sgt.s32 s13, $0x7F;
	s15 =	sadd.s32 $0xFFFFFC01, s14;
	s13 =	sshll.u32 s13, $0x7  }
0x2e: {  	s14 =	ssub.s32 $0x400, s14;
	p2 =	sgt.s32 s15, $0x0;
	s13 =	ssub.s32 $0x4000, s13  }
0x2f: {  	s14 =	simm.s32 @p2 $0x0;
	s13 =	simm.s32 @p1 $0x0  }
0x30: {  	s13 =	smul.u32 s14, s13;
	_ =	sdelay $0x1  }
0x31: {  	s14 =	simm.s32 $0x1;
	s13 =	sand.u32 $0x3FFFFF80, s13  }
0x32: {  	s14 =	simm.s32 @!p0 $0x0;
	_ =	swait.ge [sflag:s5], s13  }
0x33: {  	s28 =	sshll.u32 s14, $0xE;
	s13 =	ssub.s32 $0x0, s13;
	[sflag:s5] =	ssyncset.done $0x0  }
0x34: {  	s29 =	sor.u32 $0x40, s28;
	[sflag:s5] =	ssyncadd.s32 s13  }
0x35: {  	s30 =	smul.u32 $0x10200, s14;
	v0 =	vld [tilespmem:s29+$0x30]  }
0x36: {  	v3 =	vld [tilespmem:s29+$0xFFFFFFD0]  }
0x37: {  	s13 =	sshrl.u32 s30, $0x2;
	v4 =	vld [tilespmem:s29+$0xFFFFFFE0]  }
0x38: {  	s14 =	sor.u32 $0x8000, s13;
	v5 =	vld [tilespmem:s29+$0xFFFFFFF0]  }
0x39: {  	s31 =	sand.u32 $0x1, s8;
	v1 =	vld [tilespmem:s29+$0x0];
	s15 =	sadd.s32 $0x0, s14  }
0x3a: {  	s13 =	smul.u32 $0x10200, s31;
	v2 =	vld [tilespmem:s29+$0x10];
	[tilespmem:s15+$0x3870 ss:$0x81] =	vst.msk $0xffff, v0  }
0x3b: {  	[tilespmem:s15+$0x810 ss:$0x81] =	vst.msk $0xffff, v3;
	v3 =	vld [tilespmem:s29+$0x20]  }
0x3c: {  	s16 =	sadd.s32 $0x80, s29;
	s13 =	sshrl.u32 s13, $0x2;
	v0 =	vld [tilespmem:s29+$0xFFFFFFC0];
	[tilespmem:s15+$0x1020 ss:$0x81] =	vst.msk $0xffff, v4  }
0x3d: {  	s17 =	simm.s32 $0x4;
	s18 =	simm.s32 $0x8;
	s13 =	sor.u32 $0x8000, s13;
	v4 =	vld [tilespmem:s16+$0x30];
	[tilespmem:s15+$0x1830 ss:$0x81] =	vst.msk $0xffff, v5  }
.LBB1_3:
0x3e: {  	p1 =	sne.s32 s18, $0x1FC;
	v5 =	vld [tilespmem:s16+$0xFFFFFFD0];
	[tilespmem:s15+$0x2040 ss:$0x81] =	vst.msk $0xffff, v1  }
0x3f: {  	v6 =	vld [tilespmem:s16+$0xFFFFFFE0];
	[tilespmem:s15+$0x2850 ss:$0x81] =	vst.msk $0xffff, v2  }
0x40: {  	s19 =	sshra.s32 s17, $0x2;
	s17 =	smov.u32 s18;
	v7 =	vld [tilespmem:s16+$0xFFFFFFF0];
	[tilespmem:s15+$0x3060 ss:$0x81] =	vst.msk $0xffff, v3  }
.Ltmp3:
0x41: {  	v1 =	vld [tilespmem:s16+$0x0];
	[tilespmem:s15+$0x0 ss:$0x81] =	vst.msk $0xffff, v0;
	s15 =	sadd.s32 s19, s14;
	(pc) =	sbr.rel @p1 .LBB1_3-.Ltmp3, $4  }
0x42: {  	v2 =	vld [tilespmem:s16+$0x10];
	[tilespmem:s15+$0x3870 ss:$0x81] =	vst.msk $0xffff, v4  }
0x43: {  	[tilespmem:s15+$0x810 ss:$0x81] =	vst.msk $0xffff, v5;
	v3 =	vld [tilespmem:s16+$0x20]  }
0x44: {  	v0 =	vld [tilespmem:s16+$0xFFFFFFC0];
	[tilespmem:s15+$0x1020 ss:$0x81] =	vst.msk $0xffff, v6;
	s16 =	sadd.s32 $0x80, s16  }
0x45: {  	s18 =	sadd.s32 $0x4, s18;
	v4 =	vld [tilespmem:s16+$0x30];
	[tilespmem:s15+$0x1830 ss:$0x81] =	vst.msk $0xffff, v7  }
0x46: {  	v5 =	vld [tilespmem:s16+$0xFFFFFFD0];
	[tilespmem:s15+$0x2040 ss:$0x81] =	vst.msk $0xffff, v1  }
0x47: {  	v58 =	vld [tilespmem:s16+$0xFFFFFFE0];
	[tilespmem:s15+$0x2850 ss:$0x81] =	vst.msk $0xffff, v2  }
0x48: {  	s17 =	sshra.s32 s17, $0x2;
	v59 =	vld [tilespmem:s16+$0xFFFFFFF0];
	[tilespmem:s15+$0x3060 ss:$0x81] =	vst.msk $0xffff, v3  }
0x49: {  	v60 =	vld [tilespmem:s16+$0x0];
	s14 =	sadd.s32 s17, s14;
	[tilespmem:s15+$0x0 ss:$0x81] =	vst.msk $0xffff, v0  }
0x4a: {  	v61 =	vld [tilespmem:s16+$0x10];
	[tilespmem:s14+$0x3870 ss:$0x81] =	vst.msk $0xffff, v4  }
0x4b: {  	v62 =	vld [tilespmem:s16+$0x20];
	[tilespmem:s14+$0x810 ss:$0x81] =	vst.msk $0xffff, v5  }
0x4c: {  	v63 =	vld [tilespmem:s16+$0xFFFFFFC0];
	[tilespmem:s14+$0x1020 ss:$0x81] =	vst.msk $0xffff, v58  }
0x4d: {  	[tilespmem:s14+$0x1830 ss:$0x81] =	vst.msk $0xffff, v59  }
.Ltmp4:
0x4e: {  	s29 =	sand.u32 $0xF80, s12;
	s11 =	sshll.u32 s11, $0xC;
	[tilespmem:s14+$0x2040 ss:$0x81] =	vst.msk $0xffff, v60;
	(pc) =	sbr.rel .LBB1_5-.Ltmp4, $4  }
0x4f: {  	s30 =	sshrl.u32 s12, $0x3;
	s31 =	sand.u32 $0x7, s12;
	s15 =	sadd.s32 s3, s29;
	[tilespmem:s14+$0x2850 ss:$0x81] =	vst.msk $0xffff, v61  }
0x50: {  	s16 =	sand.u32 $0xF, s30;
	s12 =	sshll.u32 s31, $0x12;
	s11 =	sadd.s32 s11, s15;
	[tilespmem:s14+$0x3060 ss:$0x81] =	vst.msk $0xffff, v62  }
0x51: {  	s12 =	sor.u32 $0x400, s12;
	[tilespmem:s14+$0x0 ss:$0x81] =	vst.msk $0xffff, v63;
	s11 =	sadd.s32 s16, s11  }
0x52: {  	[hbm4b:s11+s12] =	stream.strided.scatter [tilespmem:s13], [sflag:$0x2], $0x4000, s7, s12, $0x20;
	[tilespmem:$0x10100] =	vst v63  }
.LBB1_6:
0x53: {  	_ =	sfence.sel $0x180000  }
0x54: {  	s2 =	simm.s32 $0x1;
	[bflag:$0x0] =	sbarrier.arrive $0xFFFF  }
0x55: {  	s31 =	simm.s32 $0x2;
	[sflag:s2] =	ssyncpa.u1 $0x1  }
0x56: {  	[sflag:s31] =	ssyncpa.u1 $0x1  }
0x57: {  	p0 =	sne.s32 s1, $0x0;
	_ =	strace $0x90000051  }
0x58: {  	s0 =	sadd.s32 @!p0 $0x100000, s0;
	[bflag:$0x2] =	sbarrier.arrive $0xFFFF  }
0x59: {  	[sflag:s0] =	ssyncadd.tile.s32 @!p0 $0x1;
	_ =	shalt  }
.Lfunc_end1:
_tile_overlayer_lowered:
.L_overlay_start_2:
0x5a: {  	(tag) =	ssettag $0x2  }
0x5b: {  	s0 =	rddreg [dreg:$0x0];
	s2 =	stileid.u32  }
0x5c: {  	s1 =	rddreg [dreg:$0x1];
	p0 =	sne.s32 s2, $0x0  }
0x5d: {  	s3 =	rddreg [dreg:$0x2];
	[bflag:$0x3] =	sbarrier.arrive $0xFFFF;
	s2 =	simm.s32 @!p0 $0x1C01  }
0x5e: {  	[timem:s3], [sflag:s2] =	dma.local @!p0 [hbm:s0], s1  }
0x5f: {  	s0 =	simm.s32 @!p0 $0x1  }
0x60: {  	_ =	swait.ge @!p0 [sflag:s0], s1  }
0x61: {  	s1 =	ssub.s32 @!p0 $0x0, s1;
	[sflag:s0] =	ssyncset.done @!p0 $0x0  }
0x62: {  	[sflag:s0] =	ssyncadd.s32 @!p0 s1  }
0x63: {  	[bflag:$0x3] =	sbarrier.arrive $0xFFFF  }
0x64: {  	_ =	shalt  }

// kernel: sparse-core-data-format-call.cloned.1.call-start
scs
called_computation_lowered:
.L_overlay_start_0:
0x0: {  	s2 =	sld [smem:$0x3FD9]  }
0x1: {  	s3 =	sld [smem:$0x3FFE];
	_ =	sdelay $0x1  }
0x2: {  	s1 =	srdreg.scid  }
0x3: {  	s0 =	sand.u32 $0x1, s1  }
0x4: {  	s18 =	sshll.u32 s0, $0xA;
	s2 =	sadd.s32 s3, s2  }
0x5: {  	s2 =	sadd.s32 s2, s18  }
0x6: {  	[smem:$0x3FC6] =	sst s2  }
0x7: {  	_ = 	snop  }
0x8: {  	s2 =	sld [smem:$0x3FD0];
	(tm) =	ssettm $0x1  }
0x9: {  	s19 =	sld [smem:$0x3FFB];
	_ =	sdelay $0x3  }
0xa: {  	_ =	strace s19  }
0xb: {  	s3 =	sld [smem:$0x3FFC];
	_ =	sdelay $0x3  }
0xc: {  	_ =	strace s3  }
0xd: {  	s3 =	sld [smem:$0x3FFD];
	_ =	sdelay $0x3  }
0xe: {  	_ =	strace s3  }
0xf: {  	_ =	strace $0x8FFFFFFF  }
0x10: {  	s20 =	sld [smem:$0x3FDB];
	_ =	sdelay $0x1  }
0x11: {  	s4 =	simm.s32 $_scs_section_size  }
0x12: {  	s5 =	simm.s32 $_size__tile_overlayer_lowered;
	s6 =	simm.s32 $_tile_overlayer_lowered  }
0x13: {  	s23 =	simm.s32 $0x1BFF;
	s22 =	sshll.u32 s6, $0x1;
	s3 =	sadd.s32 s4, s20  }
0x14: {  	s7 =	simm.s32 $0x0;
	s21 =	sshll.u32 s5, $0x1;
	s5 =	sadd.s32 s22, s3  }
0x15: {  	[timem:s7], [sflag:s23] =	dma.local [hbm:s5], s21  }
0x16: {  	_ =	swait.ge [sflag:s23], s21  }
0x17: {  	s4 =	ssub.s32 $0x0, s21;
	[sflag:s23] =	ssyncset.done $0x0  }
0x18: {  	[sflag:s23] =	ssyncadd.s32 s4;
	_ =	sdelay $0x1  }
0x19: {  	s24 =	simm.s32 $0x1B8B  }
0x1a: {  	_ =	swait.ge [sflag:s24], $0x1  }
0x1b: {  	[sflag:s24] =	ssyncset.done $0x0  }
0x1c: {  	s26 =	simm.s32 $0x1B8E;
	s25 =	sld [smem:$0x3FFE];
	[sflag:s24] =	ssyncadd.s32 $0xFFFFFFFF  }
0x1d: {  	s27 =	simm.s32 $execute0_lowered;
	[smem:$0x3FD2] =	sst s26  }
0x1e: {  	s5 =	sshll.u32 s27, $0x1;
	_ =	strace $0x80000053;
	[dreg:$0x1] =	wrdreg $0xFFFFFFFF  }
0x1f: {  	s28 =	simm.s32 $_size_execute0_lowered;
	s3 =	sadd.s32 s3, s5;
	[dreg:$0x0] =	wrdreg $0x0  }
0x20: {  	s5 =	sshll.u32 s28, $0x1;
	[dreg:$0x2] =	wrdreg s3  }
0x21: {  	[dreg:$0x3] =	wrdreg s5  }
0x22: {  	[dreg:$0x4] =	wrdreg $0xC0  }
0x23: {  	_ =	task [dreg:s7], $0x5FFFF  }
0x24: {  	[dreg:$0x1] =	wrdreg $0xFFFFFFFF  }
0x25: {  	[dreg:$0x0] =	wrdreg $0x60  }
0x26: {  	[dreg:$0x2] =	wrdreg s25  }
0x27: {  	[dreg:$0x3] =	wrdreg s2  }
0x28: {  	[dreg:$0x4] =	wrdreg $0x9  }
0x29: {  	_ =	task.clear_ibuf [dreg:s7], $0x5FFFF;
	_ =	strace $0x90000053  }
0x2a: {  	s29 =	simm.s32 $0x9;
	_ =	strace $0x80000055  }
0x2b: {  	_ =	swait.ge [sflag:s29], $0x1  }
0x2c: {  	[sflag:s29] =	ssyncadd.s32 $0xFFFFFFFF  }
0x2d: {  	_ =	strace $0x90000055  }
0x2e: {  	_ =	sfence  }
0x2f: {  	s30 =	sld [smem:$0x0];
	_ =	sdelay $0x2  }
0x30: {  	s31 =	sshll.u32 s1, $0xD;
	s1 =	sshrl.u32 s1, $0x2  }
0x31: {  	s3 =	sand.u32 $0x4000, s31;
	s1 =	sadd.s32 s1, s30  }
0x32: {  	s0 =	sor.u32 s3, s0;
	s1 =	sshll.u32 s1, $0x11  }
0x33: {  	s0 =	sor.u32 s1, s0  }
0x34: {  	s0 =	sadd.s32 $0x8F2B, s0  }
0x35: {  	[sflag:s0] =	ssyncadd.remote.s32 $0x1  }
0x36: {  	_ =	sfence.sel $0xFFFF  }
0x37: {  	[dreg:$0x0] =	wrdreg $0xFFFFFFFF;
	(pc) =	sbr.abs _section_cstart, $3  }
0x38: {  	[dreg:$0x1] =	wrdreg $0xFFFFFFFF  }
0x39: {  	_ =	task.clear_ibuf [dreg:s7], $0x2FFFF;
	_ =	strace $0x9FFFFFFF  }
0x3a: {  	(tm) =	ssettm $0x7FFFFFFF  }
0x3b: {  	_ =	shalt  }
tec
execute0_lowered:
.L_overlay_start_1:
0x0: {  	(tag) =	ssettag $0x1  }
0x1: {  	s5 =	rddreg [dreg:$0x0]  }
0x2: {  	s0 =	srdreg.scid;
	s3 =	rddreg [dreg:$0x1];
	s7 =	simm.s32 $0x1  }
0x3: {  	s8 =	simm.s32 $0x2;
	s18 =	simm.s32 $0x0;
	s1 =	sshll.u32 s0, $0x4  }
0x4: {  	s17 =	simm.s32 $0x0;
	s0 =	stileid.u32;
	s1 =	sand.u32 $0x10, s1  }
0x5: {  	s16 =	simm.s32 $0x0;
	s9 =	simm.s32 $0x0;
	s1 =	sor.u32 s0, s1  }
0x6: {  	s10 =	simm.s32 $0x0;
	s11 =	simm.s32 $0x0;
	s2 =	sshll.u32 s1, $0x7  }
0x7: {  	s12 =	simm.s32 $0x0;
	s13 =	simm.s32 $0x0;
	s6 =	ssub.s32 $0x1000, s2  }
0x8: {  	s15 =	simm.s32 $0x0;
	s5 =	sadd.s32 $0x1000, s5;
	s4 =	sand.u32 $0xF80, s6  }
.Ltmp0:
0x9: {  	s1 =	rddreg [dreg:$0x2];
	p0 =	sne.s32 s4, $0x0;
	(pc) =	sbr.rel .LBB1_1-.Ltmp0, $4  }
0xa: {  	_ =	strace $0x80000054;
	s6 =	sshrl.u32 s6, $0xC;
	s7 =	simm.s32 @!p0 $0x0  }
0xb: {  	s14 =	smov.u32 s2;
	s4 =	simm.s32 $0x1;
	s6 =	sadd.s32 s7, s6  }
0xc: {  	[sflag:s4] =	ssyncpa.u1 $0x0;
	p0 =	por $0x0, $0x0;
	s6 =	sshll.u32 s6, $0x6  }
0xd: {  	[sflag:s8] =	ssyncpa.u1 $0x0;
	s8 =	simm.s32 $0x20000;
	s7 =	sor.u32 $0x1, s6  }
.LBB1_4:
0xe: {  	s23 =	sshra.s32 s23, $0x2;
	s24 =	sshll.u32 s11, $0x3  }
0xf: {  	s28 =	sand.u32 $0x78, s11;
	p2 =	sgt.s32 s10, $0x1F;
	s26 =	sshra.s32 s10, $0x1F  }
0x10: {  	p1 =	sgt.s32 s9, $0x48;
	s27 =	sshra.s32 s11, $0x1F;
	s25 =	sand.u32 $0xC00, s24  }
0x11: {  	s22 =	sadd.s32 s23, s22;
	s23 =	sor.u32 s28, s25;
	s25 =	smov.u32 s10  }
0x12: {  	s29 =	sshra.s32 s9, $0x1F;
	s26 =	sand.u32 s26, s10;
	s25 =	simm.s32 @!p2 $0x1F  }
0x13: {  	p2 =	sgt.s32 s11, $0xF80;
	s25 =	ssub.s32 s25, s26;
	s26 =	smov.u32 s11  }
0x14: {  	s27 =	sand.u32 s27, s11;
	s28 =	sadd.s32 $0xFFFFFFE1, s25;
	s26 =	simm.s32 @!p2 $0xF80  }
0x15: {  	v5 =	vld [tilespmem:s20+$0xFFFFFFD0];
	[tilespmem:s21+$0x2040 ss:$0x81] =	vst.msk $0xffff, v4;
	s25 =	ssub.s32 $0x20, s25;
	p2 =	sgt.s32 s28, $0x0;
	s28 =	smov.u32 s9  }
0x16: {  	v58 =	vld [tilespmem:s20+$0xFFFFFFE0];
	[tilespmem:s21+$0x2850 ss:$0x81] =	vst.msk $0xffff, v3;
	s26 =	ssub.s32 s26, s27;
	s27 =	sand.u32 s29, s9;
	s29 =	sshll.u32 s10, $0x7  }
0x17: {  	v59 =	vld [tilespmem:s20+$0xFFFFFFF0];
	[tilespmem:s21+$0x3060 ss:$0x81] =	vst.msk $0xffff, v2;
	s28 =	simm.s32 @!p1 $0x48;
	s25 =	simm.s32 @p2 $0x0;
	s30 =	sadd.s32 $0xFFFFF080, s26  }
0x18: {  	[tilespmem:s21+$0x0 ss:$0x81] =	vst.msk $0xffff, v1;
	v60 =	vld [tilespmem:s20+$0x0];
	s26 =	ssub.s32 $0x1000, s26;
	s27 =	ssub.s32 s28, s27;
	p1 =	sgt.s32 s30, $0x7F  }
0x19: {  	v61 =	vld [tilespmem:s20+$0x10];
	[tilespmem:s22+$0x3870 ss:$0x81] =	vst.msk $0xffff, v0;
	s28 =	sshll.u32 s10, $0xC;
	s30 =	sand.u32 $0x1FC00, s24;
	s31 =	sadd.s32 $0xFFFFFFB8, s27  }
0x1a: {  	v62 =	vld [tilespmem:s20+$0x20];
	[tilespmem:s22+$0x810 ss:$0x81] =	vst.msk $0xffff, v5;
	s26 =	simm.s32 @p1 $0x0;
	s21 =	sand.u32 $0x18000, s28;
	s28 =	sand.u32 $0x7, s11  }
0x1b: {  	v63 =	vld [tilespmem:s20+$0xFFFFFFC0];
	[tilespmem:s22+$0x1020 ss:$0x81] =	vst.msk $0xffff, v58;
	p1 =	sgt.s32 s31, $0x7F;
	s25 =	smul.u32 s26, s25;
	s31 =	sand.u32 $0x380, s29  }
0x1c: {  	[tilespmem:s22+$0x1830 ss:$0x81] =	vst.msk $0xffff, v59;
	s26 =	ssub.s32 $0xC8, s27;
	s20 =	sadd.s32 s30, s21;
	s27 =	sshll.u32 s9, $0xE  }
0x1d: {  	[tilespmem:s22+$0x2040 ss:$0x81] =	vst.msk $0xffff, v60;
	s23 =	sor.u32 s31, s23;
	s26 =	simm.s32 @p1 $0x0;
	s20 =	sshrl.u32 s20, $0x3  }
0x1e: {  	[tilespmem:s22+$0x2850 ss:$0x81] =	vst.msk $0xffff, v61;
	s24 =	sadd.s32 s3, s27;
	s26 =	smul.u32 s26, s25;
	s20 =	sand.u32 $0x3E00, s20  }
0x1f: {  	[tilespmem:s22+$0x3060 ss:$0x81] =	vst.msk $0xffff, v62;
	s29 =	sshll.u32 s28, $0x12;
	s21 =	sshrl.u32 s23, $0x3;
	s20 =	sadd.s32 s20, s24  }
0x20: {  	[tilespmem:s22+$0x0 ss:$0x81] =	vst.msk $0xffff, v63;
	s31 =	sor.u32 $0x80, s29;
	s30 =	sand.u32 $0x3FFFFFFF, s26;
	s20 =	sadd.s32 s21, s20  }
0x21: {  	[hbm4b:s20+s31] =	stream.strided.scatter [tilespmem:s19], [sflag:$0x2], s30, s8, s31, $0x20;
	[tilespmem:$0x10100] =	vst v63  }
.LBB1_5:
0x22: {  	p1 =	slt.u32 s15, $0x2  }
0x23: {  	p2 =	sgt.s32 @!p1 s18, $0x48  }
0x24: {  	s19 =	smov.u32 s18;
	s20 =	sshra.s32 @!p1 s18, $0x1F;
	p2 =	por !p2, p1  }
0x25: {  	s18 =	sand.u32 @!p1 s20, s18;
	s19 =	simm.s32 @p2 $0x48  }
0x26: {  	s20 =	sshra.s32 @!p1 s17, $0x1F;
	p2 =	sgt.s32 @!p1 s17, $0x1F;
	s18 =	ssub.s32 @!p1 s19, s18  }
0x27: {  	p2 =	por !p2, p1;
	s19 =	smov.u32 s17;
	s17 =	sand.u32 @!p1 s20, s17  }
0x28: {  	s20 =	sshra.s32 @!p1 s16, $0x1F;
	s19 =	simm.s32 @p2 $0x1F;
	p2 =	sgt.s32 @!p1 s16, $0xF80  }
0x29: {  	s17 =	ssub.s32 @!p1 s19, s17;
	p2 =	por !p2, p1;
	s19 =	smov.u32 s16  }
0x2a: {  	s16 =	sand.u32 @!p1 s20, s16;
	s20 =	sadd.s32 @!p1 $0xFFFFFFE1, s17;
	s19 =	simm.s32 @p2 $0xF80  }
0x2b: {  	p2 =	sgt.s32 @!p1 s20, $0x0;
	s16 =	ssub.s32 @!p1 s19, s16  }
0x2c: {  	s17 =	ssub.s32 @!p1 $0x20, s17;
	p2 =	por !p2, p1;
	s19 =	sadd.s32 @!p1 $0xFFFFF080, s16  }
0x2d: {  	s17 =	simm.s32 @!p2 $0x0;
	p2 =	sgt.s32 @!p1 s19, $0x7F  }
0x2e: {  	s21 =	smov.u32 s14;
	s16 =	ssub.s32 @!p1 $0x1000, s16;
	p2 =	por !p2, p1  }
0x2f: {  	s20 =	sadd.s32 @!p1 $0xFFFFFFB8, s18;
	s19 =	sadd.s32 $0x80, s12;
	s16 =	simm.s32 @!p2 $0x0  }
0x30: {  	p2 =	sgt.s32 s19, $0xC7;
	s16 =	smul.u32 @!p1 s16, s17;
	s17 =	simm.s32 $0x1  }
0x31: {  	p0 =	por !p0, !p0;
	p3 =	sgt.s32 @!p1 s20, $0x7F;
	s17 =	simm.s32 @!p2 $0x0  }
0x32: {  	s18 =	ssub.s32 @!p1 $0xC8, s18;
	p3 =	por !p3, p1;
	s20 =	sadd.s32 s17, s13  }
0x33: {  	s18 =	simm.s32 @!p3 $0x0;
	s17 =	sadd.s32 $0x1000, s14;
	p3 =	sgt.s32 s20, $0x1F  }
0x34: {  	s22 =	simm.s32 @!p1 $0x2;
	s19 =	simm.s32 @p2 $0x0;
	s21 =	smov.u32 @p3 s17  }
0x35: {  	s16 =	smul.u32 @!p1 s18, s16;
	s18 =	smov.u32 s9;
	p2 =	sgt.s32 s21, $0xFFF  }
0x36: {  	s9 =	smov.u32 s12;
	s21 =	smov.u32 @p2 s2;
	p2 =	sne.s32 s15, s7  }
.Ltmp1:
0x37: {  	s12 =	smov.u32 s19;
	s16 =	sand.u32 @!p1 $0x3FFFFFFF, s16;
	(pc) =	sbr.rel @!p2 .LBB1_6-.Ltmp1, $4  }
0x38: {  	s20 =	simm.s32 @p3 $0x0;
	s17 =	smov.u32 s10;
	s10 =	smov.u32 s13  }
0x39: {  	_ =	swait.ge @!p1 [sflag:s22], s16;
	s23 =	ssub.s32 @!p1 $0x0, s16;
	s16 =	smov.u32 s11  }
0x3a: {  	s11 =	smov.u32 s14;
	s13 =	smov.u32 s20;
	[sflag:s22] =	ssyncset.done @!p1 $0x0  }
0x3b: {  	s15 =	sadd.s32 $0x1, s15;
	[sflag:s22] =	ssyncadd.s32 @!p1 s23;
	s14 =	smov.u32 s21  }
.LBB1_1:
0x3c: {  	p1 =	sge.u32 s15, s6  }
0x3d: {  	s31 =	sadd.s32 $0xFFFFFFFF, s15;
	s19 =	sxor.u32 @!p1 $0xFFFFFFFF, s15  }
0x3e: {  	s20 =	sshll.u32 @!p1 s13, $0x8;
	s21 =	sshll.u32 @!p1 s12, $0x3;
	s22 =	sshll.u32 @!p1 s13, $0x7  }
0x3f: {  	s23 =	sand.u32 @!p1 $0x78, s12;
	s20 =	sand.u32 @!p1 $0x1800, s20;
	s21 =	sand.u32 @!p1 $0x1C00, s21  }
0x40: {  	s19 =	sshll.u32 @!p1 s19, $0xE;
	s20 =	sadd.s32 @!p1 s20, s21;
	s21 =	sand.u32 @!p1 $0x300, s22  }
0x41: {  	s19 =	sand.u32 @!p1 $0x4000, s19;
	s20 =	sor.u32 @!p1 s21, s20;
	s21 =	sand.u32 @!p1 $0x80, s22  }
0x42: {  	s22 =	sshll.u32 @!p1 s14, $0xA;
	s21 =	sor.u32 @!p1 s23, s21;
	s20 =	sshrl.u32 @!p1 s20, $0x3  }
0x43: {  	s22 =	sadd.s32 @!p1 s5, s22;
	s23 =	sand.u32 @!p1 $0x7, s12;
	s21 =	sshrl.u32 @!p1 s21, $0x3  }
0x44: {  	s20 =	sand.u32 @!p1 $0x3E0, s20;
	s21 =	sadd.s32 @!p1 s21, s22;
	s22 =	sshll.u32 @!p1 s23, $0x12  }
0x45: {  	s20 =	sadd.s32 @!p1 s20, s21;
	s21 =	sor.u32 @!p1 $0x80, s22;
	s22 =	simm.s32 @!p1 $0x2000  }
0x46: {  	[tilespmem:s19], [sflag:$0x1] =	stream.strided.gather @!p1 [hbm4b:s20+s21], $0x4000, s22, s21, $0x38;
	[tilespmem:$0x10100] =	vst v63  }
0x47: {  	p1 =	sge.u32 s31, s6  }
.Ltmp2:
0x48: {  	_ = 	snop;
	(pc) =	sbr.rel @p1 .LBB1_5-.Ltmp2, $1  }
0x49: {  	_ =	sdelay $0x3  }
0x4a: {  	s19 =	simm.s32 $0x1  }
0x4b: {  	_ =	swait.ge [sflag:s4], $0x4000;
	s19 =	simm.s32 @!p0 $0x0  }
0x4c: {  	[sflag:s4] =	ssyncset.done $0x0;
	s20 =	sshll.u32 s19, $0xE  }
0x4d: {  	[sflag:s4] =	ssyncadd.s32 $0xFFFFC000;
	s20 =	sor.u32 $0x40, s20  }
0x4e: {  	s19 =	smul.u32 $0x10200, s19;
	v0 =	vld [tilespmem:s20+$0x30]  }
0x4f: {  	v1 =	vld [tilespmem:s20+$0xFFFFFFD0]  }
0x50: {  	s19 =	sshrl.u32 s19, $0x2;
	v5 =	vld [tilespmem:s20+$0xFFFFFFE0]  }
0x51: {  	v6 =	vld [tilespmem:s20+$0xFFFFFFF0];
	s22 =	sor.u32 $0x8000, s19  }
0x52: {  	s31 =	sand.u32 $0x1, s15;
	v4 =	vld [tilespmem:s20+$0x0];
	s21 =	sadd.s32 $0x0, s22  }
0x53: {  	v3 =	vld [tilespmem:s20+$0x10];
	s19 =	smul.u32 $0x10200, s31;
	[tilespmem:s21+$0x3870 ss:$0x81] =	vst.msk $0xffff, v0  }
0x54: {  	v2 =	vld [tilespmem:s20+$0x20];
	[tilespmem:s21+$0x810 ss:$0x81] =	vst.msk $0xffff, v1  }
0x55: {  	s19 =	sshrl.u32 s19, $0x2;
	v1 =	vld [tilespmem:s20+$0xFFFFFFC0];
	[tilespmem:s21+$0x1020 ss:$0x81] =	vst.msk $0xffff, v5;
	s20 =	sadd.s32 $0x80, s20  }
0x56: {  	s23 =	simm.s32 $0x4;
	s24 =	simm.s32 $0x8;
	s19 =	sor.u32 $0x8000, s19;
	[tilespmem:s21+$0x1830 ss:$0x81] =	vst.msk $0xffff, v6;
	v0 =	vld [tilespmem:s20+$0x30]  }
.LBB1_3:
0x57: {  	p1 =	sne.s32 s24, $0x1FC;
	v5 =	vld [tilespmem:s20+$0xFFFFFFD0];
	[tilespmem:s21+$0x2040 ss:$0x81] =	vst.msk $0xffff, v4  }
0x58: {  	v6 =	vld [tilespmem:s20+$0xFFFFFFE0];
	[tilespmem:s21+$0x2850 ss:$0x81] =	vst.msk $0xffff, v3  }
0x59: {  	s25 =	sshra.s32 s23, $0x2;
	s23 =	smov.u32 s24;
	v7 =	vld [tilespmem:s20+$0xFFFFFFF0];
	[tilespmem:s21+$0x3060 ss:$0x81] =	vst.msk $0xffff, v2  }
.Ltmp3:
0x5a: {  	v4 =	vld [tilespmem:s20+$0x0];
	[tilespmem:s21+$0x0 ss:$0x81] =	vst.msk $0xffff, v1;
	s21 =	sadd.s32 s25, s22;
	(pc) =	sbr.rel @p1 .LBB1_3-.Ltmp3, $4  }
0x5b: {  	v3 =	vld [tilespmem:s20+$0x10];
	[tilespmem:s21+$0x3870 ss:$0x81] =	vst.msk $0xffff, v0  }
0x5c: {  	[tilespmem:s21+$0x810 ss:$0x81] =	vst.msk $0xffff, v5;
	v2 =	vld [tilespmem:s20+$0x20]  }
0x5d: {  	v1 =	vld [tilespmem:s20+$0xFFFFFFC0];
	[tilespmem:s21+$0x1020 ss:$0x81] =	vst.msk $0xffff, v6;
	s20 =	sadd.s32 $0x80, s20  }
0x5e: {  	s24 =	sadd.s32 $0x4, s24;
	v0 =	vld [tilespmem:s20+$0x30];
	[tilespmem:s21+$0x1830 ss:$0x81] =	vst.msk $0xffff, v7  }
.Ltmp4:
0x5f: {  	_ = 	snop;
	(pc) =	sbr.rel .LBB1_4-.Ltmp4, $1  }
0x60: {  	_ =	sdelay $0x3  }
.LBB1_6:
0x61: {  	_ =	sfence.sel $0x180000  }
0x62: {  	s2 =	simm.s32 $0x1;
	[bflag:$0x0] =	sbarrier.arrive $0xFFFF  }
0x63: {  	s31 =	simm.s32 $0x2;
	[sflag:s2] =	ssyncpa.u1 $0x1  }
0x64: {  	[sflag:s31] =	ssyncpa.u1 $0x1  }
0x65: {  	p0 =	sne.s32 s0, $0x0;
	_ =	strace $0x90000054  }
0x66: {  	s0 =	sadd.s32 @!p0 $0x100000, s1;
	[bflag:$0x2] =	sbarrier.arrive $0xFFFF  }
0x67: {  	[sflag:s0] =	ssyncadd.tile.s32 @!p0 $0x1;
	_ =	shalt  }
.Lfunc_end1:
_tile_overlayer_lowered:
.L_overlay_start_2:
0x68: {  	(tag) =	ssettag $0x2  }
0x69: {  	s0 =	rddreg [dreg:$0x0];
	s2 =	stileid.u32  }
0x6a: {  	s1 =	rddreg [dreg:$0x1];
	p0 =	sne.s32 s2, $0x0  }
0x6b: {  	s3 =	rddreg [dreg:$0x2];
	[bflag:$0x3] =	sbarrier.arrive $0xFFFF;
	s2 =	simm.s32 @!p0 $0x1C01  }
0x6c: {  	[timem:s3], [sflag:s2] =	dma.local @!p0 [hbm:s0], s1  }
0x6d: {  	s0 =	simm.s32 @!p0 $0x1  }
0x6e: {  	_ =	swait.ge @!p0 [sflag:s0], s1  }
0x6f: {  	s1 =	ssub.s32 @!p0 $0x0, s1;
	[sflag:s0] =	ssyncset.done @!p0 $0x0  }
0x70: {  	[sflag:s0] =	ssyncadd.s32 @!p0 s1  }
0x71: {  	[bflag:$0x3] =	sbarrier.arrive $0xFFFF  }
0x72: {  	_ =	shalt  }

</sc_bundles>
